<compile_context>
chip_gen: v7x
topology: tpu7x:2x2x1
jax: 0.10.2.dev20260603
libtpu: 0.0.44.dev20260713+nightly
codegen_flags: <defaults>
</compile_context>

<pallas_src>
import functools

import jax
import jax.numpy as jnp
from jax import lax
from jax.experimental import pallas as pl
from jax.experimental.pallas import tpu as pltpu
from jax.experimental.pallas import tpu_sc as plsc

V = 1000000
D = 32
B = 16384
NC = 2
NS = 16
NW = NC * NS
BPW = B // NW
NCHUNK = 4
CHUNK = BPW // NCHUNK

_LN2 = 0.6931471805599453
_LN100 = 4.605170185988092

_mesh = plsc.VectorSubcoreMesh(core_axis_name="c", subcore_axis_name="s")


@functools.partial(
    pl.kernel,
    mesh=_mesh,
    compiler_params=pltpu.CompilerParams(
        needs_layout_passes=False, use_tc_tiling_on_sc=False),
    out_type=jax.ShapeDtypeStruct((B,), jnp.float32),
    scratch_types=[
        pltpu.VMEM((NCHUNK, CHUNK), jnp.int32),
        pltpu.VMEM((NCHUNK, CHUNK), jnp.int32),
        pltpu.VMEM((BPW, D), jnp.float32),
        pltpu.VMEM((BPW, D), jnp.float32),
        pltpu.VMEM((BPW,), jnp.float32),
        pltpu.VMEM((BPW,), jnp.float32),
        pltpu.VMEM((BPW,), jnp.float32),
        pltpu.VMEM((BPW,), jnp.float32),
        pltpu.SemaphoreType.DMA,
    ],
)
def _glove_sc(wi_hbm, wj_hbm, y_hbm, wc_hbm, wx_hbm, bc_hbm, bx_hbm,
              out_hbm, idx_i, idx_j, e_i, e_j, bi, bj, yv, outv, sem):
    wid = lax.axis_index("s") * NC + lax.axis_index("c")
    base = wid * BPW

    pltpu.sync_copy(wi_hbm.at[pl.ds(wid * NCHUNK, NCHUNK)], idx_i)
    pltpu.sync_copy(wj_hbm.at[pl.ds(wid * NCHUNK, NCHUNK)], idx_j)
    pltpu.sync_copy(y_hbm.at[pl.ds(base, BPW)], yv)

    copies = []
    for k in range(NCHUNK):
        sl = pl.ds(k * CHUNK, CHUNK)
        copies.append(pltpu.async_copy(wc_hbm.at[idx_i.at[k]], e_i.at[sl], sem))
        copies.append(pltpu.async_copy(wx_hbm.at[idx_j.at[k]], e_j.at[sl], sem))
        copies.append(pltpu.async_copy(bc_hbm.at[idx_i.at[k]], bi.at[sl], sem))
        copies.append(pltpu.async_copy(bx_hbm.at[idx_j.at[k]], bj.at[sl], sem))
    for c in copies:
        c.wait()

    lane = lax.iota(jnp.int32, 16)

    def group(g, carry):
        rows = g * 16 + lane
        acc = jnp.zeros((16,), jnp.float32)
        for d in range(D):
            col = jnp.full((16,), d, jnp.int32)
            acc = acc + plsc.load_gather(e_i, [rows, col]) * \
                plsc.load_gather(e_j, [rows, col])
        off = g * 16
        pred = acc + bi[pl.ds(off, 16)] + bj[pl.ds(off, 16)]
        y = yv[pl.ds(off, 16)]
        bits = plsc.bitcast(y, jnp.int32)
        ex = (bits >> 23) - 127
        m = plsc.bitcast((bits & 0x007FFFFF) | 0x3F800000, jnp.float32)
        t = (m - 1.0) / (m + 1.0)
        t2 = t * t
        lnm = 2.0 * t * (1.0 + t2 * (1.0 / 3.0 + t2 * (0.2 + t2 * (1.0 / 7.0))))
        lny = ex.astype(jnp.float32) * _LN2 + lnm
        w = jnp.minimum(jnp.exp(0.75 * (lny - _LN100)), 1.0)
        r = pred - lny
        outv[pl.ds(off, 16)] = w * r * r
        return carry

    lax.fori_loop(0, BPW // 16, group, 0)
    pltpu.sync_copy(outv, out_hbm.at[pl.ds(base, BPW)])


def kernel(w_i, w_j, y_true, W_center, W_context, b_center, b_context):
    wi = w_i.astype(jnp.int32).reshape(NW * NCHUNK, CHUNK)
    wj = w_j.astype(jnp.int32).reshape(NW * NCHUNK, CHUNK)
    return _glove_sc(wi, wj, y_true, W_center, W_context, b_center, b_context)

# --- scband reference (transcript-rebuilt; emitter-appended) ---
"""Pipeline reference for scband-glo-ve-model-multi-input-52012053955046 (READ-ONLY COPY).

The authoritative reference and input builder live on the scoring server;
editing this copy changes nothing except your own understanding.
"""

import jax, jax.numpy as jnp
import numpy as np

V = 1000000  # corpus_size
D = 32       # property_size
B = 16384    # batch

def setup_inputs(seed: int = 0) -> dict:
    key = jax.random.key(seed)
    k1, k2, k3, k4, k5, k6, k7 = jax.random.split(key, 7)
    w_i = jax.random.randint(k1, (B,), 0, V)
    w_j = jax.random.randint(k2, (B,), 0, V)
    # co-occurrence counts, positive (scaled uniform into [1, 100])
    y_true = jax.random.uniform(k3, (B,), dtype=jnp.float32) * 99.0 + 1.0
    W_center = jax.random.normal(k4, (V, D), dtype=jnp.float32) * 0.01
    W_context = jax.random.normal(k5, (V, D), dtype=jnp.float32) * 0.01
    b_center = jax.random.normal(k6, (V,), dtype=jnp.float32) * 0.01
    b_context = jax.random.normal(k7, (V,), dtype=jnp.float32) * 0.01
    return {"w_i": w_i, "w_j": w_j, "y_true": y_true,
            "W_center": W_center, "W_context": W_context,
            "b_center": b_center, "b_context": b_context}

def reference(w_i, w_j, y_true, W_center, W_context, b_center, b_context):
    # GloVe embedding lookups (center and context tables)
    e_i = jnp.take(W_center, w_i, axis=0)      # [B, D]
    e_j = jnp.take(W_context, w_j, axis=0)     # [B, D]
    bi = jnp.take(b_center, w_i, axis=0)       # [B]
    bj = jnp.take(b_context, w_j, axis=0)      # [B]
    # dot product of embeddings + biases -> predicted log co-occurrence
    pred = jnp.sum(e_i * e_j, axis=-1) + bi + bj
    # GloVe weighting: f(x) = min((x / count_max)^scaling_factor, 1)
    count_max = 100.0
    scaling_factor = 3.0 / 4.0
    weight = jnp.minimum(jnp.power(y_true / count_max, scaling_factor), 1.0)
    loss = weight * jnp.square(pred - jnp.log(y_true))  # [B]
    return loss

if __name__ == "__main__":
    import jax
    _d = setup_inputs()
    print(jax.jit(kernel)(*tuple(_d.values())))

</pallas_src>

<mosaic_0001>
#map = affine_map<(d0, d1) -> (0, 0)>
#map1 = affine_map<(d0, d1) -> (0)>
module attributes {stable_mosaic.version = 14 : i64} {
  func.func @_glove_sc(%arg0: i32, %arg1: i32, %arg2: memref<128x128xi32, #tpu.memory_space<hbm>>, %arg3: memref<128x128xi32, #tpu.memory_space<hbm>>, %arg4: memref<16384xf32, #tpu.memory_space<hbm>>, %arg5: memref<1000000x32xf32, #tpu.memory_space<hbm>>, %arg6: memref<1000000x32xf32, #tpu.memory_space<hbm>>, %arg7: memref<1000000xf32, #tpu.memory_space<hbm>>, %arg8: memref<1000000xf32, #tpu.memory_space<hbm>>, %arg9: memref<16384xf32, #tpu.memory_space<hbm>>, %arg10: memref<4x128xi32, #tpu.memory_space<vmem>>, %arg11: memref<4x128xi32, #tpu.memory_space<vmem>>, %arg12: memref<512x32xf32, #tpu.memory_space<vmem>>, %arg13: memref<512x32xf32, #tpu.memory_space<vmem>>, %arg14: memref<512xf32, #tpu.memory_space<vmem>>, %arg15: memref<512xf32, #tpu.memory_space<vmem>>, %arg16: memref<512xf32, #tpu.memory_space<vmem>>, %arg17: memref<512xf32, #tpu.memory_space<vmem>>, %arg18: memref<!tpu.dma_semaphore, #tpu.memory_space<semaphore_mem>>) attributes {dimension_semantics = [#tpu.dimension_semantics<core_parallel>, #tpu.dimension_semantics<subcore_parallel>], iteration_bounds = array<i64: 2, 16>, scalar_prefetch = 0 : i64, scratch_operands = 9 : i64, tpu.core_type = #tpu.core_type<sc_vector_subcore>, window_params = [{transform_indices = #map}, {transform_indices = #map}, {transform_indices = #map1}, {transform_indices = #map}, {transform_indices = #map}, {transform_indices = #map1}, {transform_indices = #map1}, {transform_indices = #map1}]} {
    %mul3A = arith.constant 2 : i32
    %mul3A_0 = arith.muli %arg1, %mul3A : i32
    %add3A = arith.addi %mul3A_0, %arg0 : i32
    %mul3A_1 = arith.constant 512 : i32
    %mul3A_2 = arith.muli %add3A, %mul3A_1 : i32
    %mul3A_3 = arith.constant 4 : i32
    %mul3A_4 = arith.muli %add3A, %mul3A_3 : i32
    "tpu.region"() ({
      %run_scoped3A = tpu.sem_alloc : memref<!tpu.dma_semaphore, #tpu.memory_space<semaphore_mem>>
      %dma_start3A_298 = arith.constant 0 : i32
      %dma_start3A_299 = tpu.memref_slice %arg2[%mul3A_4, %dma_start3A_298] : memref<128x128xi32, #tpu.memory_space<hbm>> -> memref<4x128xi32, #tpu.memory_space<hbm>>
      %dma_start3A_300 = arith.constant 0 : i32
      %dma_start3A_301 = tpu.memref_slice %arg2[%mul3A_4, %dma_start3A_300] : memref<128x128xi32, #tpu.memory_space<hbm>> -> memref<4x128xi32, #tpu.memory_space<hbm>>
      tpu.enqueue_dma source(%dma_start3A_301 : memref<4x128xi32, #tpu.memory_space<hbm>>) target(%arg10 : memref<4x128xi32, #tpu.memory_space<vmem>>) target_semaphore(%run_scoped3A : memref<!tpu.dma_semaphore, #tpu.memory_space<semaphore_mem>>)
      %dma_wait3A_302 = arith.constant 0 : i32
      %dma_wait3A_303 = tpu.memref_slice %arg2[%mul3A_4, %dma_wait3A_302] : memref<128x128xi32, #tpu.memory_space<hbm>> -> memref<4x128xi32, #tpu.memory_space<hbm>>
      %dma_wait3A_304 = arith.constant 0 : i32
      %dma_wait3A_305 = tpu.memref_slice %arg2[%mul3A_4, %dma_wait3A_304] : memref<128x128xi32, #tpu.memory_space<hbm>> -> memref<4x128xi32, #tpu.memory_space<hbm>>
      tpu.wait_dma2 semaphore(%run_scoped3A : memref<!tpu.dma_semaphore, #tpu.memory_space<semaphore_mem>>) src(%dma_wait3A_305 : memref<4x128xi32, #tpu.memory_space<hbm>>) dst(%arg10 : memref<4x128xi32, #tpu.memory_space<vmem>>)
      tpu.yield
    }) : () -> ()
    %mul3A_5 = arith.constant 4 : i32
    %mul3A_6 = arith.muli %add3A, %mul3A_5 : i32
    "tpu.region"() ({
      %run_scoped3A = tpu.sem_alloc : memref<!tpu.dma_semaphore, #tpu.memory_space<semaphore_mem>>
      %dma_start3A_298 = arith.constant 0 : i32
      %dma_start3A_299 = tpu.memref_slice %arg3[%mul3A_6, %dma_start3A_298] : memref<128x128xi32, #tpu.memory_space<hbm>> -> memref<4x128xi32, #tpu.memory_space<hbm>>
      %dma_start3A_300 = arith.constant 0 : i32
      %dma_start3A_301 = tpu.memref_slice %arg3[%mul3A_6, %dma_start3A_300] : memref<128x128xi32, #tpu.memory_space<hbm>> -> memref<4x128xi32, #tpu.memory_space<hbm>>
      tpu.enqueue_dma source(%dma_start3A_301 : memref<4x128xi32, #tpu.memory_space<hbm>>) target(%arg11 : memref<4x128xi32, #tpu.memory_space<vmem>>) target_semaphore(%run_scoped3A : memref<!tpu.dma_semaphore, #tpu.memory_space<semaphore_mem>>)
      %dma_wait3A_302 = arith.constant 0 : i32
      %dma_wait3A_303 = tpu.memref_slice %arg3[%mul3A_6, %dma_wait3A_302] : memref<128x128xi32, #tpu.memory_space<hbm>> -> memref<4x128xi32, #tpu.memory_space<hbm>>
      %dma_wait3A_304 = arith.constant 0 : i32
      %dma_wait3A_305 = tpu.memref_slice %arg3[%mul3A_6, %dma_wait3A_304] : memref<128x128xi32, #tpu.memory_space<hbm>> -> memref<4x128xi32, #tpu.memory_space<hbm>>
      tpu.wait_dma2 semaphore(%run_scoped3A : memref<!tpu.dma_semaphore, #tpu.memory_space<semaphore_mem>>) src(%dma_wait3A_305 : memref<4x128xi32, #tpu.memory_space<hbm>>) dst(%arg11 : memref<4x128xi32, #tpu.memory_space<vmem>>)
      tpu.yield
    }) : () -> ()
    "tpu.region"() ({
      %run_scoped3A = tpu.sem_alloc : memref<!tpu.dma_semaphore, #tpu.memory_space<semaphore_mem>>
      %dma_start3A_298 = tpu.memref_slice %arg4[%mul3A_2] : memref<16384xf32, #tpu.memory_space<hbm>> -> memref<512xf32, #tpu.memory_space<hbm>>
      %dma_start3A_299 = tpu.memref_slice %arg4[%mul3A_2] : memref<16384xf32, #tpu.memory_space<hbm>> -> memref<512xf32, #tpu.memory_space<hbm>>
      tpu.enqueue_dma source(%dma_start3A_299 : memref<512xf32, #tpu.memory_space<hbm>>) target(%arg16 : memref<512xf32, #tpu.memory_space<vmem>>) target_semaphore(%run_scoped3A : memref<!tpu.dma_semaphore, #tpu.memory_space<semaphore_mem>>)
      %dma_wait3A_300 = tpu.memref_slice %arg4[%mul3A_2] : memref<16384xf32, #tpu.memory_space<hbm>> -> memref<512xf32, #tpu.memory_space<hbm>>
      %dma_wait3A_301 = tpu.memref_slice %arg4[%mul3A_2] : memref<16384xf32, #tpu.memory_space<hbm>> -> memref<512xf32, #tpu.memory_space<hbm>>
      tpu.wait_dma2 semaphore(%run_scoped3A : memref<!tpu.dma_semaphore, #tpu.memory_space<semaphore_mem>>) src(%dma_wait3A_301 : memref<512xf32, #tpu.memory_space<hbm>>) dst(%arg16 : memref<512xf32, #tpu.memory_space<vmem>>)
      tpu.yield
    }) : () -> ()
    %dma_start3A = arith.constant 0 : i32
    %dma_start3A_7 = arith.constant 0 : i32
    %dma_start3A_8 = arith.constant 0 : i32
    %dma_start3A_9 = tpu.memref_slice %arg12[%dma_start3A_7, %dma_start3A_8] : memref<512x32xf32, #tpu.memory_space<vmem>> -> memref<128x32xf32, #tpu.memory_space<vmem>>
    %dma_start3A_10 = arith.constant 0 : i32
    %dma_start3A_11 = tpu.memref_slice %arg10[%dma_start3A, %dma_start3A_10] : memref<4x128xi32, #tpu.memory_space<vmem>> -> memref<1x128xi32, #tpu.memory_space<vmem>>
    %dma_start3A_12 = tpu.memref_squeeze %dma_start3A_11 : memref<1x128xi32, #tpu.memory_space<vmem>> -> memref<128xi32, #tpu.memory_space<vmem>>
    %dma_start3A_13 = arith.constant 0 : i32
    %dma_start3A_14 = arith.constant 0 : i32
    %dma_start3A_15 = tpu.memref_slice %arg5[%dma_start3A_13, %dma_start3A_14] : memref<1000000x32xf32, #tpu.memory_space<hbm>> -> memref<1000000x32xf32, #tpu.memory_space<hbm>>
    tpu.enqueue_indirect_dma source(%dma_start3A_15 : memref<1000000x32xf32, #tpu.memory_space<hbm>>) target(%dma_start3A_9 : memref<128x32xf32, #tpu.memory_space<vmem>>) offsets(%dma_start3A_12 : memref<128xi32, #tpu.memory_space<vmem>>) semaphore(%arg18 : memref<!tpu.dma_semaphore, #tpu.memory_space<semaphore_mem>>)
    %dma_start3A_16 = arith.constant 0 : i32
    %dma_start3A_17 = arith.constant 0 : i32
    %dma_start3A_18 = arith.constant 0 : i32
    %dma_start3A_19 = tpu.memref_slice %arg13[%dma_start3A_17, %dma_start3A_18] : memref<512x32xf32, #tpu.memory_space<vmem>> -> memref<128x32xf32, #tpu.memory_space<vmem>>
    %dma_start3A_20 = arith.constant 0 : i32
    %dma_start3A_21 = tpu.memref_slice %arg11[%dma_start3A_16, %dma_start3A_20] : memref<4x128xi32, #tpu.memory_space<vmem>> -> memref<1x128xi32, #tpu.memory_space<vmem>>
    %dma_start3A_22 = tpu.memref_squeeze %dma_start3A_21 : memref<1x128xi32, #tpu.memory_space<vmem>> -> memref<128xi32, #tpu.memory_space<vmem>>
    %dma_start3A_23 = arith.constant 0 : i32
    %dma_start3A_24 = arith.constant 0 : i32
    %dma_start3A_25 = tpu.memref_slice %arg6[%dma_start3A_23, %dma_start3A_24] : memref<1000000x32xf32, #tpu.memory_space<hbm>> -> memref<1000000x32xf32, #tpu.memory_space<hbm>>
    tpu.enqueue_indirect_dma source(%dma_start3A_25 : memref<1000000x32xf32, #tpu.memory_space<hbm>>) target(%dma_start3A_19 : memref<128x32xf32, #tpu.memory_space<vmem>>) offsets(%dma_start3A_22 : memref<128xi32, #tpu.memory_space<vmem>>) semaphore(%arg18 : memref<!tpu.dma_semaphore, #tpu.memory_space<semaphore_mem>>)
    %dma_start3A_26 = arith.constant 0 : i32
    %dma_start3A_27 = arith.constant 0 : i32
    %dma_start3A_28 = tpu.memref_slice %arg14[%dma_start3A_27] : memref<512xf32, #tpu.memory_space<vmem>> -> memref<128xf32, #tpu.memory_space<vmem>>
    %dma_start3A_29 = arith.constant 0 : i32
    %dma_start3A_30 = tpu.memref_slice %arg10[%dma_start3A_26, %dma_start3A_29] : memref<4x128xi32, #tpu.memory_space<vmem>> -> memref<1x128xi32, #tpu.memory_space<vmem>>
    %dma_start3A_31 = tpu.memref_squeeze %dma_start3A_30 : memref<1x128xi32, #tpu.memory_space<vmem>> -> memref<128xi32, #tpu.memory_space<vmem>>
    %dma_start3A_32 = arith.constant 0 : i32
    %dma_start3A_33 = tpu.memref_slice %arg7[%dma_start3A_32] : memref<1000000xf32, #tpu.memory_space<hbm>> -> memref<1000000xf32, #tpu.memory_space<hbm>>
    tpu.enqueue_indirect_dma source(%dma_start3A_33 : memref<1000000xf32, #tpu.memory_space<hbm>>) target(%dma_start3A_28 : memref<128xf32, #tpu.memory_space<vmem>>) offsets(%dma_start3A_31 : memref<128xi32, #tpu.memory_space<vmem>>) semaphore(%arg18 : memref<!tpu.dma_semaphore, #tpu.memory_space<semaphore_mem>>)
    %dma_start3A_34 = arith.constant 0 : i32
    %dma_start3A_35 = arith.constant 0 : i32
    %dma_start3A_36 = tpu.memref_slice %arg15[%dma_start3A_35] : memref<512xf32, #tpu.memory_space<vmem>> -> memref<128xf32, #tpu.memory_space<vmem>>
    %dma_start3A_37 = arith.constant 0 : i32
    %dma_start3A_38 = tpu.memref_slice %arg11[%dma_start3A_34, %dma_start3A_37] : memref<4x128xi32, #tpu.memory_space<vmem>> -> memref<1x128xi32, #tpu.memory_space<vmem>>
    %dma_start3A_39 = tpu.memref_squeeze %dma_start3A_38 : memref<1x128xi32, #tpu.memory_space<vmem>> -> memref<128xi32, #tpu.memory_space<vmem>>
    %dma_start3A_40 = arith.constant 0 : i32
    %dma_start3A_41 = tpu.memref_slice %arg8[%dma_start3A_40] : memref<1000000xf32, #tpu.memory_space<hbm>> -> memref<1000000xf32, #tpu.memory_space<hbm>>
    tpu.enqueue_indirect_dma source(%dma_start3A_41 : memref<1000000xf32, #tpu.memory_space<hbm>>) target(%dma_start3A_36 : memref<128xf32, #tpu.memory_space<vmem>>) offsets(%dma_start3A_39 : memref<128xi32, #tpu.memory_space<vmem>>) semaphore(%arg18 : memref<!tpu.dma_semaphore, #tpu.memory_space<semaphore_mem>>)
    %dma_start3A_42 = arith.constant 1 : i32
    %dma_start3A_43 = arith.constant 128 : i32
    %dma_start3A_44 = arith.constant 0 : i32
    %dma_start3A_45 = tpu.memref_slice %arg12[%dma_start3A_43, %dma_start3A_44] : memref<512x32xf32, #tpu.memory_space<vmem>> -> memref<128x32xf32, #tpu.memory_space<vmem>>
    %dma_start3A_46 = arith.constant 0 : i32
    %dma_start3A_47 = tpu.memref_slice %arg10[%dma_start3A_42, %dma_start3A_46] : memref<4x128xi32, #tpu.memory_space<vmem>> -> memref<1x128xi32, #tpu.memory_space<vmem>>
    %dma_start3A_48 = tpu.memref_squeeze %dma_start3A_47 : memref<1x128xi32, #tpu.memory_space<vmem>> -> memref<128xi32, #tpu.memory_space<vmem>>
    %dma_start3A_49 = arith.constant 0 : i32
    %dma_start3A_50 = arith.constant 0 : i32
    %dma_start3A_51 = tpu.memref_slice %arg5[%dma_start3A_49, %dma_start3A_50] : memref<1000000x32xf32, #tpu.memory_space<hbm>> -> memref<1000000x32xf32, #tpu.memory_space<hbm>>
    tpu.enqueue_indirect_dma source(%dma_start3A_51 : memref<1000000x32xf32, #tpu.memory_space<hbm>>) target(%dma_start3A_45 : memref<128x32xf32, #tpu.memory_space<vmem>>) offsets(%dma_start3A_48 : memref<128xi32, #tpu.memory_space<vmem>>) semaphore(%arg18 : memref<!tpu.dma_semaphore, #tpu.memory_space<semaphore_mem>>)
    %dma_start3A_52 = arith.constant 1 : i32
    %dma_start3A_53 = arith.constant 128 : i32
    %dma_start3A_54 = arith.constant 0 : i32
    %dma_start3A_55 = tpu.memref_slice %arg13[%dma_start3A_53, %dma_start3A_54] : memref<512x32xf32, #tpu.memory_space<vmem>> -> memref<128x32xf32, #tpu.memory_space<vmem>>
    %dma_start3A_56 = arith.constant 0 : i32
    %dma_start3A_57 = tpu.memref_slice %arg11[%dma_start3A_52, %dma_start3A_56] : memref<4x128xi32, #tpu.memory_space<vmem>> -> memref<1x128xi32, #tpu.memory_space<vmem>>
    %dma_start3A_58 = tpu.memref_squeeze %dma_start3A_57 : memref<1x128xi32, #tpu.memory_space<vmem>> -> memref<128xi32, #tpu.memory_space<vmem>>
    %dma_start3A_59 = arith.constant 0 : i32
    %dma_start3A_60 = arith.constant 0 : i32
    %dma_start3A_61 = tpu.memref_slice %arg6[%dma_start3A_59, %dma_start3A_60] : memref<1000000x32xf32, #tpu.memory_space<hbm>> -> memref<1000000x32xf32, #tpu.memory_space<hbm>>
    tpu.enqueue_indirect_dma source(%dma_start3A_61 : memref<1000000x32xf32, #tpu.memory_space<hbm>>) target(%dma_start3A_55 : memref<128x32xf32, #tpu.memory_space<vmem>>) offsets(%dma_start3A_58 : memref<128xi32, #tpu.memory_space<vmem>>) semaphore(%arg18 : memref<!tpu.dma_semaphore, #tpu.memory_space<semaphore_mem>>)
    %dma_start3A_62 = arith.constant 1 : i32
    %dma_start3A_63 = arith.constant 128 : i32
    %dma_start3A_64 = tpu.memref_slice %arg14[%dma_start3A_63] : memref<512xf32, #tpu.memory_space<vmem>> -> memref<128xf32, #tpu.memory_space<vmem>>
    %dma_start3A_65 = arith.constant 0 : i32
    %dma_start3A_66 = tpu.memref_slice %arg10[%dma_start3A_62, %dma_start3A_65] : memref<4x128xi32, #tpu.memory_space<vmem>> -> memref<1x128xi32, #tpu.memory_space<vmem>>
    %dma_start3A_67 = tpu.memref_squeeze %dma_start3A_66 : memref<1x128xi32, #tpu.memory_space<vmem>> -> memref<128xi32, #tpu.memory_space<vmem>>
    %dma_start3A_68 = arith.constant 0 : i32
    %dma_start3A_69 = tpu.memref_slice %arg7[%dma_start3A_68] : memref<1000000xf32, #tpu.memory_space<hbm>> -> memref<1000000xf32, #tpu.memory_space<hbm>>
    tpu.enqueue_indirect_dma source(%dma_start3A_69 : memref<1000000xf32, #tpu.memory_space<hbm>>) target(%dma_start3A_64 : memref<128xf32, #tpu.memory_space<vmem>>) offsets(%dma_start3A_67 : memref<128xi32, #tpu.memory_space<vmem>>) semaphore(%arg18 : memref<!tpu.dma_semaphore, #tpu.memory_space<semaphore_mem>>)
    %dma_start3A_70 = arith.constant 1 : i32
    %dma_start3A_71 = arith.constant 128 : i32
    %dma_start3A_72 = tpu.memref_slice %arg15[%dma_start3A_71] : memref<512xf32, #tpu.memory_space<vmem>> -> memref<128xf32, #tpu.memory_space<vmem>>
    %dma_start3A_73 = arith.constant 0 : i32
    %dma_start3A_74 = tpu.memref_slice %arg11[%dma_start3A_70, %dma_start3A_73] : memref<4x128xi32, #tpu.memory_space<vmem>> -> memref<1x128xi32, #tpu.memory_space<vmem>>
    %dma_start3A_75 = tpu.memref_squeeze %dma_start3A_74 : memref<1x128xi32, #tpu.memory_space<vmem>> -> memref<128xi32, #tpu.memory_space<vmem>>
    %dma_start3A_76 = arith.constant 0 : i32
    %dma_start3A_77 = tpu.memref_slice %arg8[%dma_start3A_76] : memref<1000000xf32, #tpu.memory_space<hbm>> -> memref<1000000xf32, #tpu.memory_space<hbm>>
    tpu.enqueue_indirect_dma source(%dma_start3A_77 : memref<1000000xf32, #tpu.memory_space<hbm>>) target(%dma_start3A_72 : memref<128xf32, #tpu.memory_space<vmem>>) offsets(%dma_start3A_75 : memref<128xi32, #tpu.memory_space<vmem>>) semaphore(%arg18 : memref<!tpu.dma_semaphore, #tpu.memory_space<semaphore_mem>>)
    %dma_start3A_78 = arith.constant 2 : i32
    %dma_start3A_79 = arith.constant 256 : i32
    %dma_start3A_80 = arith.constant 0 : i32
    %dma_start3A_81 = tpu.memref_slice %arg12[%dma_start3A_79, %dma_start3A_80] : memref<512x32xf32, #tpu.memory_space<vmem>> -> memref<128x32xf32, #tpu.memory_space<vmem>>
    %dma_start3A_82 = arith.constant 0 : i32
    %dma_start3A_83 = tpu.memref_slice %arg10[%dma_start3A_78, %dma_start3A_82] : memref<4x128xi32, #tpu.memory_space<vmem>> -> memref<1x128xi32, #tpu.memory_space<vmem>>
    %dma_start3A_84 = tpu.memref_squeeze %dma_start3A_83 : memref<1x128xi32, #tpu.memory_space<vmem>> -> memref<128xi32, #tpu.memory_space<vmem>>
    %dma_start3A_85 = arith.constant 0 : i32
    %dma_start3A_86 = arith.constant 0 : i32
    %dma_start3A_87 = tpu.memref_slice %arg5[%dma_start3A_85, %dma_start3A_86] : memref<1000000x32xf32, #tpu.memory_space<hbm>> -> memref<1000000x32xf32, #tpu.memory_space<hbm>>
    tpu.enqueue_indirect_dma source(%dma_start3A_87 : memref<1000000x32xf32, #tpu.memory_space<hbm>>) target(%dma_start3A_81 : memref<128x32xf32, #tpu.memory_space<vmem>>) offsets(%dma_start3A_84 : memref<128xi32, #tpu.memory_space<vmem>>) semaphore(%arg18 : memref<!tpu.dma_semaphore, #tpu.memory_space<semaphore_mem>>)
    %dma_start3A_88 = arith.constant 2 : i32
    %dma_start3A_89 = arith.constant 256 : i32
    %dma_start3A_90 = arith.constant 0 : i32
    %dma_start3A_91 = tpu.memref_slice %arg13[%dma_start3A_89, %dma_start3A_90] : memref<512x32xf32, #tpu.memory_space<vmem>> -> memref<128x32xf32, #tpu.memory_space<vmem>>
    %dma_start3A_92 = arith.constant 0 : i32
    %dma_start3A_93 = tpu.memref_slice %arg11[%dma_start3A_88, %dma_start3A_92] : memref<4x128xi32, #tpu.memory_space<vmem>> -> memref<1x128xi32, #tpu.memory_space<vmem>>
    %dma_start3A_94 = tpu.memref_squeeze %dma_start3A_93 : memref<1x128xi32, #tpu.memory_space<vmem>> -> memref<128xi32, #tpu.memory_space<vmem>>
    %dma_start3A_95 = arith.constant 0 : i32
    %dma_start3A_96 = arith.constant 0 : i32
    %dma_start3A_97 = tpu.memref_slice %arg6[%dma_start3A_95, %dma_start3A_96] : memref<1000000x32xf32, #tpu.memory_space<hbm>> -> memref<1000000x32xf32, #tpu.memory_space<hbm>>
    tpu.enqueue_indirect_dma source(%dma_start3A_97 : memref<1000000x32xf32, #tpu.memory_space<hbm>>) target(%dma_start3A_91 : memref<128x32xf32, #tpu.memory_space<vmem>>) offsets(%dma_start3A_94 : memref<128xi32, #tpu.memory_space<vmem>>) semaphore(%arg18 : memref<!tpu.dma_semaphore, #tpu.memory_space<semaphore_mem>>)
    %dma_start3A_98 = arith.constant 2 : i32
    %dma_start3A_99 = arith.constant 256 : i32
    %dma_start3A_100 = tpu.memref_slice %arg14[%dma_start3A_99] : memref<512xf32, #tpu.memory_space<vmem>> -> memref<128xf32, #tpu.memory_space<vmem>>
    %dma_start3A_101 = arith.constant 0 : i32
    %dma_start3A_102 = tpu.memref_slice %arg10[%dma_start3A_98, %dma_start3A_101] : memref<4x128xi32, #tpu.memory_space<vmem>> -> memref<1x128xi32, #tpu.memory_space<vmem>>
    %dma_start3A_103 = tpu.memref_squeeze %dma_start3A_102 : memref<1x128xi32, #tpu.memory_space<vmem>> -> memref<128xi32, #tpu.memory_space<vmem>>
    %dma_start3A_104 = arith.constant 0 : i32
    %dma_start3A_105 = tpu.memref_slice %arg7[%dma_start3A_104] : memref<1000000xf32, #tpu.memory_space<hbm>> -> memref<1000000xf32, #tpu.memory_space<hbm>>
    tpu.enqueue_indirect_dma source(%dma_start3A_105 : memref<1000000xf32, #tpu.memory_space<hbm>>) target(%dma_start3A_100 : memref<128xf32, #tpu.memory_space<vmem>>) offsets(%dma_start3A_103 : memref<128xi32, #tpu.memory_space<vmem>>) semaphore(%arg18 : memref<!tpu.dma_semaphore, #tpu.memory_space<semaphore_mem>>)
    %dma_start3A_106 = arith.constant 2 : i32
    %dma_start3A_107 = arith.constant 256 : i32
    %dma_start3A_108 = tpu.memref_slice %arg15[%dma_start3A_107] : memref<512xf32, #tpu.memory_space<vmem>> -> memref<128xf32, #tpu.memory_space<vmem>>
    %dma_start3A_109 = arith.constant 0 : i32
    %dma_start3A_110 = tpu.memref_slice %arg11[%dma_start3A_106, %dma_start3A_109] : memref<4x128xi32, #tpu.memory_space<vmem>> -> memref<1x128xi32, #tpu.memory_space<vmem>>
    %dma_start3A_111 = tpu.memref_squeeze %dma_start3A_110 : memref<1x128xi32, #tpu.memory_space<vmem>> -> memref<128xi32, #tpu.memory_space<vmem>>
    %dma_start3A_112 = arith.constant 0 : i32
    %dma_start3A_113 = tpu.memref_slice %arg8[%dma_start3A_112] : memref<1000000xf32, #tpu.memory_space<hbm>> -> memref<1000000xf32, #tpu.memory_space<hbm>>
    tpu.enqueue_indirect_dma source(%dma_start3A_113 : memref<1000000xf32, #tpu.memory_space<hbm>>) target(%dma_start3A_108 : memref<128xf32, #tpu.memory_space<vmem>>) offsets(%dma_start3A_111 : memref<128xi32, #tpu.memory_space<vmem>>) semaphore(%arg18 : memref<!tpu.dma_semaphore, #tpu.memory_space<semaphore_mem>>)
    %dma_start3A_114 = arith.constant 3 : i32
    %dma_start3A_115 = arith.constant 384 : i32
    %dma_start3A_116 = arith.constant 0 : i32
    %dma_start3A_117 = tpu.memref_slice %arg12[%dma_start3A_115, %dma_start3A_116] : memref<512x32xf32, #tpu.memory_space<vmem>> -> memref<128x32xf32, #tpu.memory_space<vmem>>
    %dma_start3A_118 = arith.constant 0 : i32
    %dma_start3A_119 = tpu.memref_slice %arg10[%dma_start3A_114, %dma_start3A_118] : memref<4x128xi32, #tpu.memory_space<vmem>> -> memref<1x128xi32, #tpu.memory_space<vmem>>
    %dma_start3A_120 = tpu.memref_squeeze %dma_start3A_119 : memref<1x128xi32, #tpu.memory_space<vmem>> -> memref<128xi32, #tpu.memory_space<vmem>>
    %dma_start3A_121 = arith.constant 0 : i32
    %dma_start3A_122 = arith.constant 0 : i32
    %dma_start3A_123 = tpu.memref_slice %arg5[%dma_start3A_121, %dma_start3A_122] : memref<1000000x32xf32, #tpu.memory_space<hbm>> -> memref<1000000x32xf32, #tpu.memory_space<hbm>>
    tpu.enqueue_indirect_dma source(%dma_start3A_123 : memref<1000000x32xf32, #tpu.memory_space<hbm>>) target(%dma_start3A_117 : memref<128x32xf32, #tpu.memory_space<vmem>>) offsets(%dma_start3A_120 : memref<128xi32, #tpu.memory_space<vmem>>) semaphore(%arg18 : memref<!tpu.dma_semaphore, #tpu.memory_space<semaphore_mem>>)
    %dma_start3A_124 = arith.constant 3 : i32
    %dma_start3A_125 = arith.constant 384 : i32
    %dma_start3A_126 = arith.constant 0 : i32
    %dma_start3A_127 = tpu.memref_slice %arg13[%dma_start3A_125, %dma_start3A_126] : memref<512x32xf32, #tpu.memory_space<vmem>> -> memref<128x32xf32, #tpu.memory_space<vmem>>
    %dma_start3A_128 = arith.constant 0 : i32
    %dma_start3A_129 = tpu.memref_slice %arg11[%dma_start3A_124, %dma_start3A_128] : memref<4x128xi32, #tpu.memory_space<vmem>> -> memref<1x128xi32, #tpu.memory_space<vmem>>
    %dma_start3A_130 = tpu.memref_squeeze %dma_start3A_129 : memref<1x128xi32, #tpu.memory_space<vmem>> -> memref<128xi32, #tpu.memory_space<vmem>>
    %dma_start3A_131 = arith.constant 0 : i32
    %dma_start3A_132 = arith.constant 0 : i32
    %dma_start3A_133 = tpu.memref_slice %arg6[%dma_start3A_131, %dma_start3A_132] : memref<1000000x32xf32, #tpu.memory_space<hbm>> -> memref<1000000x32xf32, #tpu.memory_space<hbm>>
    tpu.enqueue_indirect_dma source(%dma_start3A_133 : memref<1000000x32xf32, #tpu.memory_space<hbm>>) target(%dma_start3A_127 : memref<128x32xf32, #tpu.memory_space<vmem>>) offsets(%dma_start3A_130 : memref<128xi32, #tpu.memory_space<vmem>>) semaphore(%arg18 : memref<!tpu.dma_semaphore, #tpu.memory_space<semaphore_mem>>)
    %dma_start3A_134 = arith.constant 3 : i32
    %dma_start3A_135 = arith.constant 384 : i32
    %dma_start3A_136 = tpu.memref_slice %arg14[%dma_start3A_135] : memref<512xf32, #tpu.memory_space<vmem>> -> memref<128xf32, #tpu.memory_space<vmem>>
    %dma_start3A_137 = arith.constant 0 : i32
    %dma_start3A_138 = tpu.memref_slice %arg10[%dma_start3A_134, %dma_start3A_137] : memref<4x128xi32, #tpu.memory_space<vmem>> -> memref<1x128xi32, #tpu.memory_space<vmem>>
    %dma_start3A_139 = tpu.memref_squeeze %dma_start3A_138 : memref<1x128xi32, #tpu.memory_space<vmem>> -> memref<128xi32, #tpu.memory_space<vmem>>
    %dma_start3A_140 = arith.constant 0 : i32
    %dma_start3A_141 = tpu.memref_slice %arg7[%dma_start3A_140] : memref<1000000xf32, #tpu.memory_space<hbm>> -> memref<1000000xf32, #tpu.memory_space<hbm>>
    tpu.enqueue_indirect_dma source(%dma_start3A_141 : memref<1000000xf32, #tpu.memory_space<hbm>>) target(%dma_start3A_136 : memref<128xf32, #tpu.memory_space<vmem>>) offsets(%dma_start3A_139 : memref<128xi32, #tpu.memory_space<vmem>>) semaphore(%arg18 : memref<!tpu.dma_semaphore, #tpu.memory_space<semaphore_mem>>)
    %dma_start3A_142 = arith.constant 3 : i32
    %dma_start3A_143 = arith.constant 384 : i32
    %dma_start3A_144 = tpu.memref_slice %arg15[%dma_start3A_143] : memref<512xf32, #tpu.memory_space<vmem>> -> memref<128xf32, #tpu.memory_space<vmem>>
    %dma_start3A_145 = arith.constant 0 : i32
    %dma_start3A_146 = tpu.memref_slice %arg11[%dma_start3A_142, %dma_start3A_145] : memref<4x128xi32, #tpu.memory_space<vmem>> -> memref<1x128xi32, #tpu.memory_space<vmem>>
    %dma_start3A_147 = tpu.memref_squeeze %dma_start3A_146 : memref<1x128xi32, #tpu.memory_space<vmem>> -> memref<128xi32, #tpu.memory_space<vmem>>
    %dma_start3A_148 = arith.constant 0 : i32
    %dma_start3A_149 = tpu.memref_slice %arg8[%dma_start3A_148] : memref<1000000xf32, #tpu.memory_space<hbm>> -> memref<1000000xf32, #tpu.memory_space<hbm>>
    tpu.enqueue_indirect_dma source(%dma_start3A_149 : memref<1000000xf32, #tpu.memory_space<hbm>>) target(%dma_start3A_144 : memref<128xf32, #tpu.memory_space<vmem>>) offsets(%dma_start3A_147 : memref<128xi32, #tpu.memory_space<vmem>>) semaphore(%arg18 : memref<!tpu.dma_semaphore, #tpu.memory_space<semaphore_mem>>)
    %dma_wait3A = arith.constant 0 : i32
    %dma_wait3A_150 = arith.constant 0 : i32
    %dma_wait3A_151 = arith.constant 0 : i32
    %dma_wait3A_152 = tpu.memref_slice %arg12[%dma_wait3A_150, %dma_wait3A_151] : memref<512x32xf32, #tpu.memory_space<vmem>> -> memref<128x32xf32, #tpu.memory_space<vmem>>
    %dma_wait3A_153 = arith.constant 0 : i32
    %dma_wait3A_154 = tpu.memref_slice %arg10[%dma_wait3A, %dma_wait3A_153] : memref<4x128xi32, #tpu.memory_space<vmem>> -> memref<1x128xi32, #tpu.memory_space<vmem>>
    %dma_wait3A_155 = tpu.memref_squeeze %dma_wait3A_154 : memref<1x128xi32, #tpu.memory_space<vmem>> -> memref<128xi32, #tpu.memory_space<vmem>>
    %dma_wait3A_156 = arith.constant 0 : i32
    %dma_wait3A_157 = arith.constant 0 : i32
    %dma_wait3A_158 = tpu.memref_slice %arg5[%dma_wait3A_156, %dma_wait3A_157] : memref<1000000x32xf32, #tpu.memory_space<hbm>> -> memref<1000000x32xf32, #tpu.memory_space<hbm>>
    tpu.wait_indirect_dma semaphore(%arg18 : memref<!tpu.dma_semaphore, #tpu.memory_space<semaphore_mem>>) src(%dma_wait3A_158 : memref<1000000x32xf32, #tpu.memory_space<hbm>>) dst(%dma_wait3A_152 : memref<128x32xf32, #tpu.memory_space<vmem>>)
    %dma_wait3A_159 = arith.constant 0 : i32
    %dma_wait3A_160 = arith.constant 0 : i32
    %dma_wait3A_161 = arith.constant 0 : i32
    %dma_wait3A_162 = tpu.memref_slice %arg13[%dma_wait3A_160, %dma_wait3A_161] : memref<512x32xf32, #tpu.memory_space<vmem>> -> memref<128x32xf32, #tpu.memory_space<vmem>>
    %dma_wait3A_163 = arith.constant 0 : i32
    %dma_wait3A_164 = tpu.memref_slice %arg11[%dma_wait3A_159, %dma_wait3A_163] : memref<4x128xi32, #tpu.memory_space<vmem>> -> memref<1x128xi32, #tpu.memory_space<vmem>>
    %dma_wait3A_165 = tpu.memref_squeeze %dma_wait3A_164 : memref<1x128xi32, #tpu.memory_space<vmem>> -> memref<128xi32, #tpu.memory_space<vmem>>
    %dma_wait3A_166 = arith.constant 0 : i32
    %dma_wait3A_167 = arith.constant 0 : i32
    %dma_wait3A_168 = tpu.memref_slice %arg6[%dma_wait3A_166, %dma_wait3A_167] : memref<1000000x32xf32, #tpu.memory_space<hbm>> -> memref<1000000x32xf32, #tpu.memory_space<hbm>>
    tpu.wait_indirect_dma semaphore(%arg18 : memref<!tpu.dma_semaphore, #tpu.memory_space<semaphore_mem>>) src(%dma_wait3A_168 : memref<1000000x32xf32, #tpu.memory_space<hbm>>) dst(%dma_wait3A_162 : memref<128x32xf32, #tpu.memory_space<vmem>>)
    %dma_wait3A_169 = arith.constant 0 : i32
    %dma_wait3A_170 = arith.constant 0 : i32
    %dma_wait3A_171 = tpu.memref_slice %arg14[%dma_wait3A_170] : memref<512xf32, #tpu.memory_space<vmem>> -> memref<128xf32, #tpu.memory_space<vmem>>
    %dma_wait3A_172 = arith.constant 0 : i32
    %dma_wait3A_173 = tpu.memref_slice %arg10[%dma_wait3A_169, %dma_wait3A_172] : memref<4x128xi32, #tpu.memory_space<vmem>> -> memref<1x128xi32, #tpu.memory_space<vmem>>
    %dma_wait3A_174 = tpu.memref_squeeze %dma_wait3A_173 : memref<1x128xi32, #tpu.memory_space<vmem>> -> memref<128xi32, #tpu.memory_space<vmem>>
    %dma_wait3A_175 = arith.constant 0 : i32
    %dma_wait3A_176 = tpu.memref_slice %arg7[%dma_wait3A_175] : memref<1000000xf32, #tpu.memory_space<hbm>> -> memref<1000000xf32, #tpu.memory_space<hbm>>
    tpu.wait_indirect_dma semaphore(%arg18 : memref<!tpu.dma_semaphore, #tpu.memory_space<semaphore_mem>>) src(%dma_wait3A_176 : memref<1000000xf32, #tpu.memory_space<hbm>>) dst(%dma_wait3A_171 : memref<128xf32, #tpu.memory_space<vmem>>)
    %dma_wait3A_177 = arith.constant 0 : i32
    %dma_wait3A_178 = arith.constant 0 : i32
    %dma_wait3A_179 = tpu.memref_slice %arg15[%dma_wait3A_178] : memref<512xf32, #tpu.memory_space<vmem>> -> memref<128xf32, #tpu.memory_space<vmem>>
    %dma_wait3A_180 = arith.constant 0 : i32
    %dma_wait3A_181 = tpu.memref_slice %arg11[%dma_wait3A_177, %dma_wait3A_180] : memref<4x128xi32, #tpu.memory_space<vmem>> -> memref<1x128xi32, #tpu.memory_space<vmem>>
    %dma_wait3A_182 = tpu.memref_squeeze %dma_wait3A_181 : memref<1x128xi32, #tpu.memory_space<vmem>> -> memref<128xi32, #tpu.memory_space<vmem>>
    %dma_wait3A_183 = arith.constant 0 : i32
    %dma_wait3A_184 = tpu.memref_slice %arg8[%dma_wait3A_183] : memref<1000000xf32, #tpu.memory_space<hbm>> -> memref<1000000xf32, #tpu.memory_space<hbm>>
    tpu.wait_indirect_dma semaphore(%arg18 : memref<!tpu.dma_semaphore, #tpu.memory_space<semaphore_mem>>) src(%dma_wait3A_184 : memref<1000000xf32, #tpu.memory_space<hbm>>) dst(%dma_wait3A_179 : memref<128xf32, #tpu.memory_space<vmem>>)
    %dma_wait3A_185 = arith.constant 1 : i32
    %dma_wait3A_186 = arith.constant 128 : i32
    %dma_wait3A_187 = arith.constant 0 : i32
    %dma_wait3A_188 = tpu.memref_slice %arg12[%dma_wait3A_186, %dma_wait3A_187] : memref<512x32xf32, #tpu.memory_space<vmem>> -> memref<128x32xf32, #tpu.memory_space<vmem>>
    %dma_wait3A_189 = arith.constant 0 : i32
    %dma_wait3A_190 = tpu.memref_slice %arg10[%dma_wait3A_185, %dma_wait3A_189] : memref<4x128xi32, #tpu.memory_space<vmem>> -> memref<1x128xi32, #tpu.memory_space<vmem>>
    %dma_wait3A_191 = tpu.memref_squeeze %dma_wait3A_190 : memref<1x128xi32, #tpu.memory_space<vmem>> -> memref<128xi32, #tpu.memory_space<vmem>>
    %dma_wait3A_192 = arith.constant 0 : i32
    %dma_wait3A_193 = arith.constant 0 : i32
    %dma_wait3A_194 = tpu.memref_slice %arg5[%dma_wait3A_192, %dma_wait3A_193] : memref<1000000x32xf32, #tpu.memory_space<hbm>> -> memref<1000000x32xf32, #tpu.memory_space<hbm>>
    tpu.wait_indirect_dma semaphore(%arg18 : memref<!tpu.dma_semaphore, #tpu.memory_space<semaphore_mem>>) src(%dma_wait3A_194 : memref<1000000x32xf32, #tpu.memory_space<hbm>>) dst(%dma_wait3A_188 : memref<128x32xf32, #tpu.memory_space<vmem>>)
    %dma_wait3A_195 = arith.constant 1 : i32
    %dma_wait3A_196 = arith.constant 128 : i32
    %dma_wait3A_197 = arith.constant 0 : i32
    %dma_wait3A_198 = tpu.memref_slice %arg13[%dma_wait3A_196, %dma_wait3A_197] : memref<512x32xf32, #tpu.memory_space<vmem>> -> memref<128x32xf32, #tpu.memory_space<vmem>>
    %dma_wait3A_199 = arith.constant 0 : i32
    %dma_wait3A_200 = tpu.memref_slice %arg11[%dma_wait3A_195, %dma_wait3A_199] : memref<4x128xi32, #tpu.memory_space<vmem>> -> memref<1x128xi32, #tpu.memory_space<vmem>>
    %dma_wait3A_201 = tpu.memref_squeeze %dma_wait3A_200 : memref<1x128xi32, #tpu.memory_space<vmem>> -> memref<128xi32, #tpu.memory_space<vmem>>
    %dma_wait3A_202 = arith.constant 0 : i32
    %dma_wait3A_203 = arith.constant 0 : i32
    %dma_wait3A_204 = tpu.memref_slice %arg6[%dma_wait3A_202, %dma_wait3A_203] : memref<1000000x32xf32, #tpu.memory_space<hbm>> -> memref<1000000x32xf32, #tpu.memory_space<hbm>>
    tpu.wait_indirect_dma semaphore(%arg18 : memref<!tpu.dma_semaphore, #tpu.memory_space<semaphore_mem>>) src(%dma_wait3A_204 : memref<1000000x32xf32, #tpu.memory_space<hbm>>) dst(%dma_wait3A_198 : memref<128x32xf32, #tpu.memory_space<vmem>>)
    %dma_wait3A_205 = arith.constant 1 : i32
    %dma_wait3A_206 = arith.constant 128 : i32
    %dma_wait3A_207 = tpu.memref_slice %arg14[%dma_wait3A_206] : memref<512xf32, #tpu.memory_space<vmem>> -> memref<128xf32, #tpu.memory_space<vmem>>
    %dma_wait3A_208 = arith.constant 0 : i32
    %dma_wait3A_209 = tpu.memref_slice %arg10[%dma_wait3A_205, %dma_wait3A_208] : memref<4x128xi32, #tpu.memory_space<vmem>> -> memref<1x128xi32, #tpu.memory_space<vmem>>
    %dma_wait3A_210 = tpu.memref_squeeze %dma_wait3A_209 : memref<1x128xi32, #tpu.memory_space<vmem>> -> memref<128xi32, #tpu.memory_space<vmem>>
    %dma_wait3A_211 = arith.constant 0 : i32
    %dma_wait3A_212 = tpu.memref_slice %arg7[%dma_wait3A_211] : memref<1000000xf32, #tpu.memory_space<hbm>> -> memref<1000000xf32, #tpu.memory_space<hbm>>
    tpu.wait_indirect_dma semaphore(%arg18 : memref<!tpu.dma_semaphore, #tpu.memory_space<semaphore_mem>>) src(%dma_wait3A_212 : memref<1000000xf32, #tpu.memory_space<hbm>>) dst(%dma_wait3A_207 : memref<128xf32, #tpu.memory_space<vmem>>)
    %dma_wait3A_213 = arith.constant 1 : i32
    %dma_wait3A_214 = arith.constant 128 : i32
    %dma_wait3A_215 = tpu.memref_slice %arg15[%dma_wait3A_214] : memref<512xf32, #tpu.memory_space<vmem>> -> memref<128xf32, #tpu.memory_space<vmem>>
    %dma_wait3A_216 = arith.constant 0 : i32
    %dma_wait3A_217 = tpu.memref_slice %arg11[%dma_wait3A_213, %dma_wait3A_216] : memref<4x128xi32, #tpu.memory_space<vmem>> -> memref<1x128xi32, #tpu.memory_space<vmem>>
    %dma_wait3A_218 = tpu.memref_squeeze %dma_wait3A_217 : memref<1x128xi32, #tpu.memory_space<vmem>> -> memref<128xi32, #tpu.memory_space<vmem>>
    %dma_wait3A_219 = arith.constant 0 : i32
    %dma_wait3A_220 = tpu.memref_slice %arg8[%dma_wait3A_219] : memref<1000000xf32, #tpu.memory_space<hbm>> -> memref<1000000xf32, #tpu.memory_space<hbm>>
    tpu.wait_indirect_dma semaphore(%arg18 : memref<!tpu.dma_semaphore, #tpu.memory_space<semaphore_mem>>) src(%dma_wait3A_220 : memref<1000000xf32, #tpu.memory_space<hbm>>) dst(%dma_wait3A_215 : memref<128xf32, #tpu.memory_space<vmem>>)
    %dma_wait3A_221 = arith.constant 2 : i32
    %dma_wait3A_222 = arith.constant 256 : i32
    %dma_wait3A_223 = arith.constant 0 : i32
    %dma_wait3A_224 = tpu.memref_slice %arg12[%dma_wait3A_222, %dma_wait3A_223] : memref<512x32xf32, #tpu.memory_space<vmem>> -> memref<128x32xf32, #tpu.memory_space<vmem>>
    %dma_wait3A_225 = arith.constant 0 : i32
    %dma_wait3A_226 = tpu.memref_slice %arg10[%dma_wait3A_221, %dma_wait3A_225] : memref<4x128xi32, #tpu.memory_space<vmem>> -> memref<1x128xi32, #tpu.memory_space<vmem>>
    %dma_wait3A_227 = tpu.memref_squeeze %dma_wait3A_226 : memref<1x128xi32, #tpu.memory_space<vmem>> -> memref<128xi32, #tpu.memory_space<vmem>>
    %dma_wait3A_228 = arith.constant 0 : i32
    %dma_wait3A_229 = arith.constant 0 : i32
    %dma_wait3A_230 = tpu.memref_slice %arg5[%dma_wait3A_228, %dma_wait3A_229] : memref<1000000x32xf32, #tpu.memory_space<hbm>> -> memref<1000000x32xf32, #tpu.memory_space<hbm>>
    tpu.wait_indirect_dma semaphore(%arg18 : memref<!tpu.dma_semaphore, #tpu.memory_space<semaphore_mem>>) src(%dma_wait3A_230 : memref<1000000x32xf32, #tpu.memory_space<hbm>>) dst(%dma_wait3A_224 : memref<128x32xf32, #tpu.memory_space<vmem>>)
    %dma_wait3A_231 = arith.constant 2 : i32
    %dma_wait3A_232 = arith.constant 256 : i32
    %dma_wait3A_233 = arith.constant 0 : i32
    %dma_wait3A_234 = tpu.memref_slice %arg13[%dma_wait3A_232, %dma_wait3A_233] : memref<512x32xf32, #tpu.memory_space<vmem>> -> memref<128x32xf32, #tpu.memory_space<vmem>>
    %dma_wait3A_235 = arith.constant 0 : i32
    %dma_wait3A_236 = tpu.memref_slice %arg11[%dma_wait3A_231, %dma_wait3A_235] : memref<4x128xi32, #tpu.memory_space<vmem>> -> memref<1x128xi32, #tpu.memory_space<vmem>>
    %dma_wait3A_237 = tpu.memref_squeeze %dma_wait3A_236 : memref<1x128xi32, #tpu.memory_space<vmem>> -> memref<128xi32, #tpu.memory_space<vmem>>
    %dma_wait3A_238 = arith.constant 0 : i32
    %dma_wait3A_239 = arith.constant 0 : i32
    %dma_wait3A_240 = tpu.memref_slice %arg6[%dma_wait3A_238, %dma_wait3A_239] : memref<1000000x32xf32, #tpu.memory_space<hbm>> -> memref<1000000x32xf32, #tpu.memory_space<hbm>>
    tpu.wait_indirect_dma semaphore(%arg18 : memref<!tpu.dma_semaphore, #tpu.memory_space<semaphore_mem>>) src(%dma_wait3A_240 : memref<1000000x32xf32, #tpu.memory_space<hbm>>) dst(%dma_wait3A_234 : memref<128x32xf32, #tpu.memory_space<vmem>>)
    %dma_wait3A_241 = arith.constant 2 : i32
    %dma_wait3A_242 = arith.constant 256 : i32
    %dma_wait3A_243 = tpu.memref_slice %arg14[%dma_wait3A_242] : memref<512xf32, #tpu.memory_space<vmem>> -> memref<128xf32, #tpu.memory_space<vmem>>
    %dma_wait3A_244 = arith.constant 0 : i32
    %dma_wait3A_245 = tpu.memref_slice %arg10[%dma_wait3A_241, %dma_wait3A_244] : memref<4x128xi32, #tpu.memory_space<vmem>> -> memref<1x128xi32, #tpu.memory_space<vmem>>
    %dma_wait3A_246 = tpu.memref_squeeze %dma_wait3A_245 : memref<1x128xi32, #tpu.memory_space<vmem>> -> memref<128xi32, #tpu.memory_space<vmem>>
    %dma_wait3A_247 = arith.constant 0 : i32
    %dma_wait3A_248 = tpu.memref_slice %arg7[%dma_wait3A_247] : memref<1000000xf32, #tpu.memory_space<hbm>> -> memref<1000000xf32, #tpu.memory_space<hbm>>
    tpu.wait_indirect_dma semaphore(%arg18 : memref<!tpu.dma_semaphore, #tpu.memory_space<semaphore_mem>>) src(%dma_wait3A_248 : memref<1000000xf32, #tpu.memory_space<hbm>>) dst(%dma_wait3A_243 : memref<128xf32, #tpu.memory_space<vmem>>)
    %dma_wait3A_249 = arith.constant 2 : i32
    %dma_wait3A_250 = arith.constant 256 : i32
    %dma_wait3A_251 = tpu.memref_slice %arg15[%dma_wait3A_250] : memref<512xf32, #tpu.memory_space<vmem>> -> memref<128xf32, #tpu.memory_space<vmem>>
    %dma_wait3A_252 = arith.constant 0 : i32
    %dma_wait3A_253 = tpu.memref_slice %arg11[%dma_wait3A_249, %dma_wait3A_252] : memref<4x128xi32, #tpu.memory_space<vmem>> -> memref<1x128xi32, #tpu.memory_space<vmem>>
    %dma_wait3A_254 = tpu.memref_squeeze %dma_wait3A_253 : memref<1x128xi32, #tpu.memory_space<vmem>> -> memref<128xi32, #tpu.memory_space<vmem>>
    %dma_wait3A_255 = arith.constant 0 : i32
    %dma_wait3A_256 = tpu.memref_slice %arg8[%dma_wait3A_255] : memref<1000000xf32, #tpu.memory_space<hbm>> -> memref<1000000xf32, #tpu.memory_space<hbm>>
    tpu.wait_indirect_dma semaphore(%arg18 : memref<!tpu.dma_semaphore, #tpu.memory_space<semaphore_mem>>) src(%dma_wait3A_256 : memref<1000000xf32, #tpu.memory_space<hbm>>) dst(%dma_wait3A_251 : memref<128xf32, #tpu.memory_space<vmem>>)
    %dma_wait3A_257 = arith.constant 3 : i32
    %dma_wait3A_258 = arith.constant 384 : i32
    %dma_wait3A_259 = arith.constant 0 : i32
    %dma_wait3A_260 = tpu.memref_slice %arg12[%dma_wait3A_258, %dma_wait3A_259] : memref<512x32xf32, #tpu.memory_space<vmem>> -> memref<128x32xf32, #tpu.memory_space<vmem>>
    %dma_wait3A_261 = arith.constant 0 : i32
    %dma_wait3A_262 = tpu.memref_slice %arg10[%dma_wait3A_257, %dma_wait3A_261] : memref<4x128xi32, #tpu.memory_space<vmem>> -> memref<1x128xi32, #tpu.memory_space<vmem>>
    %dma_wait3A_263 = tpu.memref_squeeze %dma_wait3A_262 : memref<1x128xi32, #tpu.memory_space<vmem>> -> memref<128xi32, #tpu.memory_space<vmem>>
    %dma_wait3A_264 = arith.constant 0 : i32
    %dma_wait3A_265 = arith.constant 0 : i32
    %dma_wait3A_266 = tpu.memref_slice %arg5[%dma_wait3A_264, %dma_wait3A_265] : memref<1000000x32xf32, #tpu.memory_space<hbm>> -> memref<1000000x32xf32, #tpu.memory_space<hbm>>
    tpu.wait_indirect_dma semaphore(%arg18 : memref<!tpu.dma_semaphore, #tpu.memory_space<semaphore_mem>>) src(%dma_wait3A_266 : memref<1000000x32xf32, #tpu.memory_space<hbm>>) dst(%dma_wait3A_260 : memref<128x32xf32, #tpu.memory_space<vmem>>)
    %dma_wait3A_267 = arith.constant 3 : i32
    %dma_wait3A_268 = arith.constant 384 : i32
    %dma_wait3A_269 = arith.constant 0 : i32
    %dma_wait3A_270 = tpu.memref_slice %arg13[%dma_wait3A_268, %dma_wait3A_269] : memref<512x32xf32, #tpu.memory_space<vmem>> -> memref<128x32xf32, #tpu.memory_space<vmem>>
    %dma_wait3A_271 = arith.constant 0 : i32
    %dma_wait3A_272 = tpu.memref_slice %arg11[%dma_wait3A_267, %dma_wait3A_271] : memref<4x128xi32, #tpu.memory_space<vmem>> -> memref<1x128xi32, #tpu.memory_space<vmem>>
    %dma_wait3A_273 = tpu.memref_squeeze %dma_wait3A_272 : memref<1x128xi32, #tpu.memory_space<vmem>> -> memref<128xi32, #tpu.memory_space<vmem>>
    %dma_wait3A_274 = arith.constant 0 : i32
    %dma_wait3A_275 = arith.constant 0 : i32
    %dma_wait3A_276 = tpu.memref_slice %arg6[%dma_wait3A_274, %dma_wait3A_275] : memref<1000000x32xf32, #tpu.memory_space<hbm>> -> memref<1000000x32xf32, #tpu.memory_space<hbm>>
    tpu.wait_indirect_dma semaphore(%arg18 : memref<!tpu.dma_semaphore, #tpu.memory_space<semaphore_mem>>) src(%dma_wait3A_276 : memref<1000000x32xf32, #tpu.memory_space<hbm>>) dst(%dma_wait3A_270 : memref<128x32xf32, #tpu.memory_space<vmem>>)
    %dma_wait3A_277 = arith.constant 3 : i32
    %dma_wait3A_278 = arith.constant 384 : i32
    %dma_wait3A_279 = tpu.memref_slice %arg14[%dma_wait3A_278] : memref<512xf32, #tpu.memory_space<vmem>> -> memref<128xf32, #tpu.memory_space<vmem>>
    %dma_wait3A_280 = arith.constant 0 : i32
    %dma_wait3A_281 = tpu.memref_slice %arg10[%dma_wait3A_277, %dma_wait3A_280] : memref<4x128xi32, #tpu.memory_space<vmem>> -> memref<1x128xi32, #tpu.memory_space<vmem>>
    %dma_wait3A_282 = tpu.memref_squeeze %dma_wait3A_281 : memref<1x128xi32, #tpu.memory_space<vmem>> -> memref<128xi32, #tpu.memory_space<vmem>>
    %dma_wait3A_283 = arith.constant 0 : i32
    %dma_wait3A_284 = tpu.memref_slice %arg7[%dma_wait3A_283] : memref<1000000xf32, #tpu.memory_space<hbm>> -> memref<1000000xf32, #tpu.memory_space<hbm>>
    tpu.wait_indirect_dma semaphore(%arg18 : memref<!tpu.dma_semaphore, #tpu.memory_space<semaphore_mem>>) src(%dma_wait3A_284 : memref<1000000xf32, #tpu.memory_space<hbm>>) dst(%dma_wait3A_279 : memref<128xf32, #tpu.memory_space<vmem>>)
    %dma_wait3A_285 = arith.constant 3 : i32
    %dma_wait3A_286 = arith.constant 384 : i32
    %dma_wait3A_287 = tpu.memref_slice %arg15[%dma_wait3A_286] : memref<512xf32, #tpu.memory_space<vmem>> -> memref<128xf32, #tpu.memory_space<vmem>>
    %dma_wait3A_288 = arith.constant 0 : i32
    %dma_wait3A_289 = tpu.memref_slice %arg11[%dma_wait3A_285, %dma_wait3A_288] : memref<4x128xi32, #tpu.memory_space<vmem>> -> memref<1x128xi32, #tpu.memory_space<vmem>>
    %dma_wait3A_290 = tpu.memref_squeeze %dma_wait3A_289 : memref<1x128xi32, #tpu.memory_space<vmem>> -> memref<128xi32, #tpu.memory_space<vmem>>
    %dma_wait3A_291 = arith.constant 0 : i32
    %dma_wait3A_292 = tpu.memref_slice %arg8[%dma_wait3A_291] : memref<1000000xf32, #tpu.memory_space<hbm>> -> memref<1000000xf32, #tpu.memory_space<hbm>>
    tpu.wait_indirect_dma semaphore(%arg18 : memref<!tpu.dma_semaphore, #tpu.memory_space<semaphore_mem>>) src(%dma_wait3A_292 : memref<1000000xf32, #tpu.memory_space<hbm>>) dst(%dma_wait3A_287 : memref<128xf32, #tpu.memory_space<vmem>>)
    %iota3A = tpu.iota {dimensions = array<i32: 0>} : vector<16xi32>
    %scan3A = arith.constant 0 : i32
    %scan3A_293 = arith.constant 0 : i32
    %scan3A_294 = arith.constant 32 : i32
    %scan3A_295 = arith.addi %scan3A_293, %scan3A_294 : i32
    %scan3A_296 = arith.constant 1 : i32
    scf.for %scan3A_298 = %scan3A_293 to %scan3A_295 step %scan3A_296  : i32 {
      %mul3A_299 = arith.constant 16 : i32
      %mul3A_300 = arith.muli %scan3A_298, %mul3A_299 : i32
      %add3A_301 = vector.broadcast %mul3A_300 : i32 to vector<16xi32>
      %add3A_302 = arith.addi %add3A_301, %iota3A : vector<16xi32>
      %broadcast_in_dim3A = arith.constant 0.000000e+00 : f32
      %broadcast_in_dim3A_303 = vector.broadcast %broadcast_in_dim3A : f32 to vector<16xf32>
      %broadcast_in_dim3A_304 = arith.constant 0 : i32
      %broadcast_in_dim3A_305 = vector.broadcast %broadcast_in_dim3A_304 : i32 to vector<16xi32>
      %gather3A = tpu.vector_load_idx %arg12[%add3A_302, %broadcast_in_dim3A_305] : memref<512x32xf32, #tpu.memory_space<vmem>>[vector<16xi32>, vector<16xi32>], vector<16xf32>,
      %gather3A_306 = tpu.vector_load_idx %arg13[%add3A_302, %broadcast_in_dim3A_305] : memref<512x32xf32, #tpu.memory_space<vmem>>[vector<16xi32>, vector<16xi32>], vector<16xf32>,
      %mul3A_307 = arith.mulf %gather3A, %gather3A_306 : vector<16xf32>
      %add3A_308 = arith.addf %broadcast_in_dim3A_303, %mul3A_307 : vector<16xf32>
      %broadcast_in_dim3A_309 = arith.constant 1 : i32
      %broadcast_in_dim3A_310 = vector.broadcast %broadcast_in_dim3A_309 : i32 to vector<16xi32>
      %gather3A_311 = tpu.vector_load_idx %arg12[%add3A_302, %broadcast_in_dim3A_310] : memref<512x32xf32, #tpu.memory_space<vmem>>[vector<16xi32>, vector<16xi32>], vector<16xf32>,
      %gather3A_312 = tpu.vector_load_idx %arg13[%add3A_302, %broadcast_in_dim3A_310] : memref<512x32xf32, #tpu.memory_space<vmem>>[vector<16xi32>, vector<16xi32>], vector<16xf32>,
      %mul3A_313 = arith.mulf %gather3A_311, %gather3A_312 : vector<16xf32>
      %add3A_314 = arith.addf %add3A_308, %mul3A_313 : vector<16xf32>
      %broadcast_in_dim3A_315 = arith.constant 2 : i32
      %broadcast_in_dim3A_316 = vector.broadcast %broadcast_in_dim3A_315 : i32 to vector<16xi32>
      %gather3A_317 = tpu.vector_load_idx %arg12[%add3A_302, %broadcast_in_dim3A_316] : memref<512x32xf32, #tpu.memory_space<vmem>>[vector<16xi32>, vector<16xi32>], vector<16xf32>,
      %gather3A_318 = tpu.vector_load_idx %arg13[%add3A_302, %broadcast_in_dim3A_316] : memref<512x32xf32, #tpu.memory_space<vmem>>[vector<16xi32>, vector<16xi32>], vector<16xf32>,
      %mul3A_319 = arith.mulf %gather3A_317, %gather3A_318 : vector<16xf32>
      %add3A_320 = arith.addf %add3A_314, %mul3A_319 : vector<16xf32>
      %broadcast_in_dim3A_321 = arith.constant 3 : i32
      %broadcast_in_dim3A_322 = vector.broadcast %broadcast_in_dim3A_321 : i32 to vector<16xi32>
      %gather3A_323 = tpu.vector_load_idx %arg12[%add3A_302, %broadcast_in_dim3A_322] : memref<512x32xf32, #tpu.memory_space<vmem>>[vector<16xi32>, vector<16xi32>], vector<16xf32>,
      %gather3A_324 = tpu.vector_load_idx %arg13[%add3A_302, %broadcast_in_dim3A_322] : memref<512x32xf32, #tpu.memory_space<vmem>>[vector<16xi32>, vector<16xi32>], vector<16xf32>,
      %mul3A_325 = arith.mulf %gather3A_323, %gather3A_324 : vector<16xf32>
      %add3A_326 = arith.addf %add3A_320, %mul3A_325 : vector<16xf32>
      %broadcast_in_dim3A_327 = arith.constant 4 : i32
      %broadcast_in_dim3A_328 = vector.broadcast %broadcast_in_dim3A_327 : i32 to vector<16xi32>
      %gather3A_329 = tpu.vector_load_idx %arg12[%add3A_302, %broadcast_in_dim3A_328] : memref<512x32xf32, #tpu.memory_space<vmem>>[vector<16xi32>, vector<16xi32>], vector<16xf32>,
      %gather3A_330 = tpu.vector_load_idx %arg13[%add3A_302, %broadcast_in_dim3A_328] : memref<512x32xf32, #tpu.memory_space<vmem>>[vector<16xi32>, vector<16xi32>], vector<16xf32>,
      %mul3A_331 = arith.mulf %gather3A_329, %gather3A_330 : vector<16xf32>
      %add3A_332 = arith.addf %add3A_326, %mul3A_331 : vector<16xf32>
      %broadcast_in_dim3A_333 = arith.constant 5 : i32
      %broadcast_in_dim3A_334 = vector.broadcast %broadcast_in_dim3A_333 : i32 to vector<16xi32>
      %gather3A_335 = tpu.vector_load_idx %arg12[%add3A_302, %broadcast_in_dim3A_334] : memref<512x32xf32, #tpu.memory_space<vmem>>[vector<16xi32>, vector<16xi32>], vector<16xf32>,
      %gather3A_336 = tpu.vector_load_idx %arg13[%add3A_302, %broadcast_in_dim3A_334] : memref<512x32xf32, #tpu.memory_space<vmem>>[vector<16xi32>, vector<16xi32>], vector<16xf32>,
      %mul3A_337 = arith.mulf %gather3A_335, %gather3A_336 : vector<16xf32>
      %add3A_338 = arith.addf %add3A_332, %mul3A_337 : vector<16xf32>
      %broadcast_in_dim3A_339 = arith.constant 6 : i32
      %broadcast_in_dim3A_340 = vector.broadcast %broadcast_in_dim3A_339 : i32 to vector<16xi32>
      %gather3A_341 = tpu.vector_load_idx %arg12[%add3A_302, %broadcast_in_dim3A_340] : memref<512x32xf32, #tpu.memory_space<vmem>>[vector<16xi32>, vector<16xi32>], vector<16xf32>,
      %gather3A_342 = tpu.vector_load_idx %arg13[%add3A_302, %broadcast_in_dim3A_340] : memref<512x32xf32, #tpu.memory_space<vmem>>[vector<16xi32>, vector<16xi32>], vector<16xf32>,
      %mul3A_343 = arith.mulf %gather3A_341, %gather3A_342 : vector<16xf32>
      %add3A_344 = arith.addf %add3A_338, %mul3A_343 : vector<16xf32>
      %broadcast_in_dim3A_345 = arith.constant 7 : i32
      %broadcast_in_dim3A_346 = vector.broadcast %broadcast_in_dim3A_345 : i32 to vector<16xi32>
      %gather3A_347 = tpu.vector_load_idx %arg12[%add3A_302, %broadcast_in_dim3A_346] : memref<512x32xf32, #tpu.memory_space<vmem>>[vector<16xi32>, vector<16xi32>], vector<16xf32>,
      %gather3A_348 = tpu.vector_load_idx %arg13[%add3A_302, %broadcast_in_dim3A_346] : memref<512x32xf32, #tpu.memory_space<vmem>>[vector<16xi32>, vector<16xi32>], vector<16xf32>,
      %mul3A_349 = arith.mulf %gather3A_347, %gather3A_348 : vector<16xf32>
      %add3A_350 = arith.addf %add3A_344, %mul3A_349 : vector<16xf32>
      %broadcast_in_dim3A_351 = arith.constant 8 : i32
      %broadcast_in_dim3A_352 = vector.broadcast %broadcast_in_dim3A_351 : i32 to vector<16xi32>
      %gather3A_353 = tpu.vector_load_idx %arg12[%add3A_302, %broadcast_in_dim3A_352] : memref<512x32xf32, #tpu.memory_space<vmem>>[vector<16xi32>, vector<16xi32>], vector<16xf32>,
      %gather3A_354 = tpu.vector_load_idx %arg13[%add3A_302, %broadcast_in_dim3A_352] : memref<512x32xf32, #tpu.memory_space<vmem>>[vector<16xi32>, vector<16xi32>], vector<16xf32>,
      %mul3A_355 = arith.mulf %gather3A_353, %gather3A_354 : vector<16xf32>
      %add3A_356 = arith.addf %add3A_350, %mul3A_355 : vector<16xf32>
      %broadcast_in_dim3A_357 = arith.constant 9 : i32
      %broadcast_in_dim3A_358 = vector.broadcast %broadcast_in_dim3A_357 : i32 to vector<16xi32>
      %gather3A_359 = tpu.vector_load_idx %arg12[%add3A_302, %broadcast_in_dim3A_358] : memref<512x32xf32, #tpu.memory_space<vmem>>[vector<16xi32>, vector<16xi32>], vector<16xf32>,
      %gather3A_360 = tpu.vector_load_idx %arg13[%add3A_302, %broadcast_in_dim3A_358] : memref<512x32xf32, #tpu.memory_space<vmem>>[vector<16xi32>, vector<16xi32>], vector<16xf32>,
      %mul3A_361 = arith.mulf %gather3A_359, %gather3A_360 : vector<16xf32>
      %add3A_362 = arith.addf %add3A_356, %mul3A_361 : vector<16xf32>
      %broadcast_in_dim3A_363 = arith.constant 10 : i32
      %broadcast_in_dim3A_364 = vector.broadcast %broadcast_in_dim3A_363 : i32 to vector<16xi32>
      %gather3A_365 = tpu.vector_load_idx %arg12[%add3A_302, %broadcast_in_dim3A_364] : memref<512x32xf32, #tpu.memory_space<vmem>>[vector<16xi32>, vector<16xi32>], vector<16xf32>,
      %gather3A_366 = tpu.vector_load_idx %arg13[%add3A_302, %broadcast_in_dim3A_364] : memref<512x32xf32, #tpu.memory_space<vmem>>[vector<16xi32>, vector<16xi32>], vector<16xf32>,
      %mul3A_367 = arith.mulf %gather3A_365, %gather3A_366 : vector<16xf32>
      %add3A_368 = arith.addf %add3A_362, %mul3A_367 : vector<16xf32>
      %broadcast_in_dim3A_369 = arith.constant 11 : i32
      %broadcast_in_dim3A_370 = vector.broadcast %broadcast_in_dim3A_369 : i32 to vector<16xi32>
      %gather3A_371 = tpu.vector_load_idx %arg12[%add3A_302, %broadcast_in_dim3A_370] : memref<512x32xf32, #tpu.memory_space<vmem>>[vector<16xi32>, vector<16xi32>], vector<16xf32>,
      %gather3A_372 = tpu.vector_load_idx %arg13[%add3A_302, %broadcast_in_dim3A_370] : memref<512x32xf32, #tpu.memory_space<vmem>>[vector<16xi32>, vector<16xi32>], vector<16xf32>,
      %mul3A_373 = arith.mulf %gather3A_371, %gather3A_372 : vector<16xf32>
      %add3A_374 = arith.addf %add3A_368, %mul3A_373 : vector<16xf32>
      %broadcast_in_dim3A_375 = arith.constant 12 : i32
      %broadcast_in_dim3A_376 = vector.broadcast %broadcast_in_dim3A_375 : i32 to vector<16xi32>
      %gather3A_377 = tpu.vector_load_idx %arg12[%add3A_302, %broadcast_in_dim3A_376] : memref<512x32xf32, #tpu.memory_space<vmem>>[vector<16xi32>, vector<16xi32>], vector<16xf32>,
      %gather3A_378 = tpu.vector_load_idx %arg13[%add3A_302, %broadcast_in_dim3A_376] : memref<512x32xf32, #tpu.memory_space<vmem>>[vector<16xi32>, vector<16xi32>], vector<16xf32>,
      %mul3A_379 = arith.mulf %gather3A_377, %gather3A_378 : vector<16xf32>
      %add3A_380 = arith.addf %add3A_374, %mul3A_379 : vector<16xf32>
      %broadcast_in_dim3A_381 = arith.constant 13 : i32
      %broadcast_in_dim3A_382 = vector.broadcast %broadcast_in_dim3A_381 : i32 to vector<16xi32>
      %gather3A_383 = tpu.vector_load_idx %arg12[%add3A_302, %broadcast_in_dim3A_382] : memref<512x32xf32, #tpu.memory_space<vmem>>[vector<16xi32>, vector<16xi32>], vector<16xf32>,
      %gather3A_384 = tpu.vector_load_idx %arg13[%add3A_302, %broadcast_in_dim3A_382] : memref<512x32xf32, #tpu.memory_space<vmem>>[vector<16xi32>, vector<16xi32>], vector<16xf32>,
      %mul3A_385 = arith.mulf %gather3A_383, %gather3A_384 : vector<16xf32>
      %add3A_386 = arith.addf %add3A_380, %mul3A_385 : vector<16xf32>
      %broadcast_in_dim3A_387 = arith.constant 14 : i32
      %broadcast_in_dim3A_388 = vector.broadcast %broadcast_in_dim3A_387 : i32 to vector<16xi32>
      %gather3A_389 = tpu.vector_load_idx %arg12[%add3A_302, %broadcast_in_dim3A_388] : memref<512x32xf32, #tpu.memory_space<vmem>>[vector<16xi32>, vector<16xi32>], vector<16xf32>,
      %gather3A_390 = tpu.vector_load_idx %arg13[%add3A_302, %broadcast_in_dim3A_388] : memref<512x32xf32, #tpu.memory_space<vmem>>[vector<16xi32>, vector<16xi32>], vector<16xf32>,
      %mul3A_391 = arith.mulf %gather3A_389, %gather3A_390 : vector<16xf32>
      %add3A_392 = arith.addf %add3A_386, %mul3A_391 : vector<16xf32>
      %broadcast_in_dim3A_393 = arith.constant 15 : i32
      %broadcast_in_dim3A_394 = vector.broadcast %broadcast_in_dim3A_393 : i32 to vector<16xi32>
      %gather3A_395 = tpu.vector_load_idx %arg12[%add3A_302, %broadcast_in_dim3A_394] : memref<512x32xf32, #tpu.memory_space<vmem>>[vector<16xi32>, vector<16xi32>], vector<16xf32>,
      %gather3A_396 = tpu.vector_load_idx %arg13[%add3A_302, %broadcast_in_dim3A_394] : memref<512x32xf32, #tpu.memory_space<vmem>>[vector<16xi32>, vector<16xi32>], vector<16xf32>,
      %mul3A_397 = arith.mulf %gather3A_395, %gather3A_396 : vector<16xf32>
      %add3A_398 = arith.addf %add3A_392, %mul3A_397 : vector<16xf32>
      %broadcast_in_dim3A_399 = arith.constant 16 : i32
      %broadcast_in_dim3A_400 = vector.broadcast %broadcast_in_dim3A_399 : i32 to vector<16xi32>
      %gather3A_401 = tpu.vector_load_idx %arg12[%add3A_302, %broadcast_in_dim3A_400] : memref<512x32xf32, #tpu.memory_space<vmem>>[vector<16xi32>, vector<16xi32>], vector<16xf32>,
      %gather3A_402 = tpu.vector_load_idx %arg13[%add3A_302, %broadcast_in_dim3A_400] : memref<512x32xf32, #tpu.memory_space<vmem>>[vector<16xi32>, vector<16xi32>], vector<16xf32>,
      %mul3A_403 = arith.mulf %gather3A_401, %gather3A_402 : vector<16xf32>
      %add3A_404 = arith.addf %add3A_398, %mul3A_403 : vector<16xf32>
      %broadcast_in_dim3A_405 = arith.constant 17 : i32
      %broadcast_in_dim3A_406 = vector.broadcast %broadcast_in_dim3A_405 : i32 to vector<16xi32>
      %gather3A_407 = tpu.vector_load_idx %arg12[%add3A_302, %broadcast_in_dim3A_406] : memref<512x32xf32, #tpu.memory_space<vmem>>[vector<16xi32>, vector<16xi32>], vector<16xf32>,
      %gather3A_408 = tpu.vector_load_idx %arg13[%add3A_302, %broadcast_in_dim3A_406] : memref<512x32xf32, #tpu.memory_space<vmem>>[vector<16xi32>, vector<16xi32>], vector<16xf32>,
      %mul3A_409 = arith.mulf %gather3A_407, %gather3A_408 : vector<16xf32>
      %add3A_410 = arith.addf %add3A_404, %mul3A_409 : vector<16xf32>
      %broadcast_in_dim3A_411 = arith.constant 18 : i32
      %broadcast_in_dim3A_412 = vector.broadcast %broadcast_in_dim3A_411 : i32 to vector<16xi32>
      %gather3A_413 = tpu.vector_load_idx %arg12[%add3A_302, %broadcast_in_dim3A_412] : memref<512x32xf32, #tpu.memory_space<vmem>>[vector<16xi32>, vector<16xi32>], vector<16xf32>,
      %gather3A_414 = tpu.vector_load_idx %arg13[%add3A_302, %broadcast_in_dim3A_412] : memref<512x32xf32, #tpu.memory_space<vmem>>[vector<16xi32>, vector<16xi32>], vector<16xf32>,
      %mul3A_415 = arith.mulf %gather3A_413, %gather3A_414 : vector<16xf32>
      %add3A_416 = arith.addf %add3A_410, %mul3A_415 : vector<16xf32>
      %broadcast_in_dim3A_417 = arith.constant 19 : i32
      %broadcast_in_dim3A_418 = vector.broadcast %broadcast_in_dim3A_417 : i32 to vector<16xi32>
      %gather3A_419 = tpu.vector_load_idx %arg12[%add3A_302, %broadcast_in_dim3A_418] : memref<512x32xf32, #tpu.memory_space<vmem>>[vector<16xi32>, vector<16xi32>], vector<16xf32>,
      %gather3A_420 = tpu.vector_load_idx %arg13[%add3A_302, %broadcast_in_dim3A_418] : memref<512x32xf32, #tpu.memory_space<vmem>>[vector<16xi32>, vector<16xi32>], vector<16xf32>,
      %mul3A_421 = arith.mulf %gather3A_419, %gather3A_420 : vector<16xf32>
      %add3A_422 = arith.addf %add3A_416, %mul3A_421 : vector<16xf32>
      %broadcast_in_dim3A_423 = arith.constant 20 : i32
      %broadcast_in_dim3A_424 = vector.broadcast %broadcast_in_dim3A_423 : i32 to vector<16xi32>
      %gather3A_425 = tpu.vector_load_idx %arg12[%add3A_302, %broadcast_in_dim3A_424] : memref<512x32xf32, #tpu.memory_space<vmem>>[vector<16xi32>, vector<16xi32>], vector<16xf32>,
      %gather3A_426 = tpu.vector_load_idx %arg13[%add3A_302, %broadcast_in_dim3A_424] : memref<512x32xf32, #tpu.memory_space<vmem>>[vector<16xi32>, vector<16xi32>], vector<16xf32>,
      %mul3A_427 = arith.mulf %gather3A_425, %gather3A_426 : vector<16xf32>
      %add3A_428 = arith.addf %add3A_422, %mul3A_427 : vector<16xf32>
      %broadcast_in_dim3A_429 = arith.constant 21 : i32
      %broadcast_in_dim3A_430 = vector.broadcast %broadcast_in_dim3A_429 : i32 to vector<16xi32>
      %gather3A_431 = tpu.vector_load_idx %arg12[%add3A_302, %broadcast_in_dim3A_430] : memref<512x32xf32, #tpu.memory_space<vmem>>[vector<16xi32>, vector<16xi32>], vector<16xf32>,
      %gather3A_432 = tpu.vector_load_idx %arg13[%add3A_302, %broadcast_in_dim3A_430] : memref<512x32xf32, #tpu.memory_space<vmem>>[vector<16xi32>, vector<16xi32>], vector<16xf32>,
      %mul3A_433 = arith.mulf %gather3A_431, %gather3A_432 : vector<16xf32>
      %add3A_434 = arith.addf %add3A_428, %mul3A_433 : vector<16xf32>
      %broadcast_in_dim3A_435 = arith.constant 22 : i32
      %broadcast_in_dim3A_436 = vector.broadcast %broadcast_in_dim3A_435 : i32 to vector<16xi32>
      %gather3A_437 = tpu.vector_load_idx %arg12[%add3A_302, %broadcast_in_dim3A_436] : memref<512x32xf32, #tpu.memory_space<vmem>>[vector<16xi32>, vector<16xi32>], vector<16xf32>,
      %gather3A_438 = tpu.vector_load_idx %arg13[%add3A_302, %broadcast_in_dim3A_436] : memref<512x32xf32, #tpu.memory_space<vmem>>[vector<16xi32>, vector<16xi32>], vector<16xf32>,
      %mul3A_439 = arith.mulf %gather3A_437, %gather3A_438 : vector<16xf32>
      %add3A_440 = arith.addf %add3A_434, %mul3A_439 : vector<16xf32>
      %broadcast_in_dim3A_441 = arith.constant 23 : i32
      %broadcast_in_dim3A_442 = vector.broadcast %broadcast_in_dim3A_441 : i32 to vector<16xi32>
      %gather3A_443 = tpu.vector_load_idx %arg12[%add3A_302, %broadcast_in_dim3A_442] : memref<512x32xf32, #tpu.memory_space<vmem>>[vector<16xi32>, vector<16xi32>], vector<16xf32>,
      %gather3A_444 = tpu.vector_load_idx %arg13[%add3A_302, %broadcast_in_dim3A_442] : memref<512x32xf32, #tpu.memory_space<vmem>>[vector<16xi32>, vector<16xi32>], vector<16xf32>,
      %mul3A_445 = arith.mulf %gather3A_443, %gather3A_444 : vector<16xf32>
      %add3A_446 = arith.addf %add3A_440, %mul3A_445 : vector<16xf32>
      %broadcast_in_dim3A_447 = arith.constant 24 : i32
      %broadcast_in_dim3A_448 = vector.broadcast %broadcast_in_dim3A_447 : i32 to vector<16xi32>
      %gather3A_449 = tpu.vector_load_idx %arg12[%add3A_302, %broadcast_in_dim3A_448] : memref<512x32xf32, #tpu.memory_space<vmem>>[vector<16xi32>, vector<16xi32>], vector<16xf32>,
      %gather3A_450 = tpu.vector_load_idx %arg13[%add3A_302, %broadcast_in_dim3A_448] : memref<512x32xf32, #tpu.memory_space<vmem>>[vector<16xi32>, vector<16xi32>], vector<16xf32>,
      %mul3A_451 = arith.mulf %gather3A_449, %gather3A_450 : vector<16xf32>
      %add3A_452 = arith.addf %add3A_446, %mul3A_451 : vector<16xf32>
      %broadcast_in_dim3A_453 = arith.constant 25 : i32
      %broadcast_in_dim3A_454 = vector.broadcast %broadcast_in_dim3A_453 : i32 to vector<16xi32>
      %gather3A_455 = tpu.vector_load_idx %arg12[%add3A_302, %broadcast_in_dim3A_454] : memref<512x32xf32, #tpu.memory_space<vmem>>[vector<16xi32>, vector<16xi32>], vector<16xf32>,
      %gather3A_456 = tpu.vector_load_idx %arg13[%add3A_302, %broadcast_in_dim3A_454] : memref<512x32xf32, #tpu.memory_space<vmem>>[vector<16xi32>, vector<16xi32>], vector<16xf32>,
      %mul3A_457 = arith.mulf %gather3A_455, %gather3A_456 : vector<16xf32>
      %add3A_458 = arith.addf %add3A_452, %mul3A_457 : vector<16xf32>
      %broadcast_in_dim3A_459 = arith.constant 26 : i32
      %broadcast_in_dim3A_460 = vector.broadcast %broadcast_in_dim3A_459 : i32 to vector<16xi32>
      %gather3A_461 = tpu.vector_load_idx %arg12[%add3A_302, %broadcast_in_dim3A_460] : memref<512x32xf32, #tpu.memory_space<vmem>>[vector<16xi32>, vector<16xi32>], vector<16xf32>,
      %gather3A_462 = tpu.vector_load_idx %arg13[%add3A_302, %broadcast_in_dim3A_460] : memref<512x32xf32, #tpu.memory_space<vmem>>[vector<16xi32>, vector<16xi32>], vector<16xf32>,
      %mul3A_463 = arith.mulf %gather3A_461, %gather3A_462 : vector<16xf32>
      %add3A_464 = arith.addf %add3A_458, %mul3A_463 : vector<16xf32>
      %broadcast_in_dim3A_465 = arith.constant 27 : i32
      %broadcast_in_dim3A_466 = vector.broadcast %broadcast_in_dim3A_465 : i32 to vector<16xi32>
      %gather3A_467 = tpu.vector_load_idx %arg12[%add3A_302, %broadcast_in_dim3A_466] : memref<512x32xf32, #tpu.memory_space<vmem>>[vector<16xi32>, vector<16xi32>], vector<16xf32>,
      %gather3A_468 = tpu.vector_load_idx %arg13[%add3A_302, %broadcast_in_dim3A_466] : memref<512x32xf32, #tpu.memory_space<vmem>>[vector<16xi32>, vector<16xi32>], vector<16xf32>,
      %mul3A_469 = arith.mulf %gather3A_467, %gather3A_468 : vector<16xf32>
      %add3A_470 = arith.addf %add3A_464, %mul3A_469 : vector<16xf32>
      %broadcast_in_dim3A_471 = arith.constant 28 : i32
      %broadcast_in_dim3A_472 = vector.broadcast %broadcast_in_dim3A_471 : i32 to vector<16xi32>
      %gather3A_473 = tpu.vector_load_idx %arg12[%add3A_302, %broadcast_in_dim3A_472] : memref<512x32xf32, #tpu.memory_space<vmem>>[vector<16xi32>, vector<16xi32>], vector<16xf32>,
      %gather3A_474 = tpu.vector_load_idx %arg13[%add3A_302, %broadcast_in_dim3A_472] : memref<512x32xf32, #tpu.memory_space<vmem>>[vector<16xi32>, vector<16xi32>], vector<16xf32>,
      %mul3A_475 = arith.mulf %gather3A_473, %gather3A_474 : vector<16xf32>
      %add3A_476 = arith.addf %add3A_470, %mul3A_475 : vector<16xf32>
      %broadcast_in_dim3A_477 = arith.constant 29 : i32
      %broadcast_in_dim3A_478 = vector.broadcast %broadcast_in_dim3A_477 : i32 to vector<16xi32>
      %gather3A_479 = tpu.vector_load_idx %arg12[%add3A_302, %broadcast_in_dim3A_478] : memref<512x32xf32, #tpu.memory_space<vmem>>[vector<16xi32>, vector<16xi32>], vector<16xf32>,
      %gather3A_480 = tpu.vector_load_idx %arg13[%add3A_302, %broadcast_in_dim3A_478] : memref<512x32xf32, #tpu.memory_space<vmem>>[vector<16xi32>, vector<16xi32>], vector<16xf32>,
      %mul3A_481 = arith.mulf %gather3A_479, %gather3A_480 : vector<16xf32>
      %add3A_482 = arith.addf %add3A_476, %mul3A_481 : vector<16xf32>
      %broadcast_in_dim3A_483 = arith.constant 30 : i32
      %broadcast_in_dim3A_484 = vector.broadcast %broadcast_in_dim3A_483 : i32 to vector<16xi32>
      %gather3A_485 = tpu.vector_load_idx %arg12[%add3A_302, %broadcast_in_dim3A_484] : memref<512x32xf32, #tpu.memory_space<vmem>>[vector<16xi32>, vector<16xi32>], vector<16xf32>,
      %gather3A_486 = tpu.vector_load_idx %arg13[%add3A_302, %broadcast_in_dim3A_484] : memref<512x32xf32, #tpu.memory_space<vmem>>[vector<16xi32>, vector<16xi32>], vector<16xf32>,
      %mul3A_487 = arith.mulf %gather3A_485, %gather3A_486 : vector<16xf32>
      %add3A_488 = arith.addf %add3A_482, %mul3A_487 : vector<16xf32>
      %broadcast_in_dim3A_489 = arith.constant 31 : i32
      %broadcast_in_dim3A_490 = vector.broadcast %broadcast_in_dim3A_489 : i32 to vector<16xi32>
      %gather3A_491 = tpu.vector_load_idx %arg12[%add3A_302, %broadcast_in_dim3A_490] : memref<512x32xf32, #tpu.memory_space<vmem>>[vector<16xi32>, vector<16xi32>], vector<16xf32>,
      %gather3A_492 = tpu.vector_load_idx %arg13[%add3A_302, %broadcast_in_dim3A_490] : memref<512x32xf32, #tpu.memory_space<vmem>>[vector<16xi32>, vector<16xi32>], vector<16xf32>,
      %mul3A_493 = arith.mulf %gather3A_491, %gather3A_492 : vector<16xf32>
      %add3A_494 = arith.addf %add3A_488, %mul3A_493 : vector<16xf32>
      %mul3A_495 = arith.constant 16 : i32
      %mul3A_496 = arith.muli %scan3A_298, %mul3A_495 : i32
      %get3A = arith.index_cast %mul3A_496 : i32 to index
      %get3A_497 = tpu.vector_load %arg14[%get3A] {strides = array<i32>} : memref<512xf32, #tpu.memory_space<vmem>>, vector<16xf32>,
      %add3A_498 = arith.addf %add3A_494, %get3A_497 : vector<16xf32>
      %get3A_499 = arith.index_cast %mul3A_496 : i32 to index
      %get3A_500 = tpu.vector_load %arg15[%get3A_499] {strides = array<i32>} : memref<512xf32, #tpu.memory_space<vmem>>, vector<16xf32>,
      %add3A_501 = arith.addf %add3A_498, %get3A_500 : vector<16xf32>
      %get3A_502 = arith.index_cast %mul3A_496 : i32 to index
      %get3A_503 = tpu.vector_load %arg16[%get3A_502] {strides = array<i32>} : memref<512xf32, #tpu.memory_space<vmem>>, vector<16xf32>,
      %bitcast3A = vector.bitcast %get3A_503 : vector<16xf32> to vector<16xi32>
      %shift_right_arithmetic3A = arith.constant 23 : i32
      %shift_right_arithmetic3A_504 = vector.broadcast %shift_right_arithmetic3A : i32 to vector<16xi32>
      %shift_right_arithmetic3A_505 = arith.shrsi %bitcast3A, %shift_right_arithmetic3A_504 : vector<16xi32>
      %sub3A = arith.constant 127 : i32
      %sub3A_506 = vector.broadcast %sub3A : i32 to vector<16xi32>
      %sub3A_507 = arith.subi %shift_right_arithmetic3A_505, %sub3A_506 : vector<16xi32>
      %and3A = arith.constant 8388607 : i32
      %and3A_508 = vector.broadcast %and3A : i32 to vector<16xi32>
      %and3A_509 = arith.andi %bitcast3A, %and3A_508 : vector<16xi32>
      %or3A = arith.constant 1065353216 : i32
      %or3A_510 = vector.broadcast %or3A : i32 to vector<16xi32>
      %or3A_511 = arith.ori %and3A_509, %or3A_510 : vector<16xi32>
      %bitcast3A_512 = vector.bitcast %or3A_511 : vector<16xi32> to vector<16xf32>
      %sub3A_513 = arith.constant 1.000000e+00 : f32
      %sub3A_514 = vector.broadcast %sub3A_513 : f32 to vector<16xf32>
      %sub3A_515 = arith.subf %bitcast3A_512, %sub3A_514 : vector<16xf32>
      %add3A_516 = arith.constant 1.000000e+00 : f32
      %add3A_517 = vector.broadcast %add3A_516 : f32 to vector<16xf32>
      %add3A_518 = arith.addf %bitcast3A_512, %add3A_517 : vector<16xf32>
      %div3A = arith.divf %sub3A_515, %add3A_518 : vector<16xf32>
      %mul3A_519 = arith.mulf %div3A, %div3A : vector<16xf32>
      %mul3A_520 = arith.constant 2.000000e+00 : f32
      %mul3A_521 = vector.broadcast %mul3A_520 : f32 to vector<16xf32>
      %mul3A_522 = arith.mulf %mul3A_521, %div3A : vector<16xf32>
      %mul3A_523 = arith.constant 0.142857149 : f32
      %mul3A_524 = vector.broadcast %mul3A_523 : f32 to vector<16xf32>
      %mul3A_525 = arith.mulf %mul3A_519, %mul3A_524 : vector<16xf32>
      %add3A_526 = arith.constant 2.000000e-01 : f32
      %add3A_527 = vector.broadcast %add3A_526 : f32 to vector<16xf32>
      %add3A_528 = arith.addf %add3A_527, %mul3A_525 : vector<16xf32>
      %mul3A_529 = arith.mulf %mul3A_519, %add3A_528 : vector<16xf32>
      %add3A_530 = arith.constant 0.333333343 : f32
      %add3A_531 = vector.broadcast %add3A_530 : f32 to vector<16xf32>
      %add3A_532 = arith.addf %add3A_531, %mul3A_529 : vector<16xf32>
      %mul3A_533 = arith.mulf %mul3A_519, %add3A_532 : vector<16xf32>
      %add3A_534 = arith.constant 1.000000e+00 : f32
      %add3A_535 = vector.broadcast %add3A_534 : f32 to vector<16xf32>
      %add3A_536 = arith.addf %add3A_535, %mul3A_533 : vector<16xf32>
      %mul3A_537 = arith.mulf %mul3A_522, %add3A_536 : vector<16xf32>
      %convert_element_type3A = arith.sitofp %sub3A_507 : vector<16xi32> to vector<16xf32>
      %mul3A_538 = arith.constant 0.693147182 : f32
      %mul3A_539 = vector.broadcast %mul3A_538 : f32 to vector<16xf32>
      %mul3A_540 = arith.mulf %convert_element_type3A, %mul3A_539 : vector<16xf32>
      %add3A_541 = arith.addf %mul3A_540, %mul3A_537 : vector<16xf32>
      %sub3A_542 = arith.constant 4.60517025 : f32
      %sub3A_543 = vector.broadcast %sub3A_542 : f32 to vector<16xf32>
      %sub3A_544 = arith.subf %add3A_541, %sub3A_543 : vector<16xf32>
      %mul3A_545 = arith.constant 7.500000e-01 : f32
      %mul3A_546 = vector.broadcast %mul3A_545 : f32 to vector<16xf32>
      %mul3A_547 = arith.mulf %mul3A_546, %sub3A_544 : vector<16xf32>
      %exp3A = math.exp %mul3A_547 : vector<16xf32>
      %min3A = arith.constant 1.000000e+00 : f32
      %min3A_548 = vector.broadcast %min3A : f32 to vector<16xf32>
      %min3A_549 = arith.minimumf %exp3A, %min3A_548 : vector<16xf32>
      %sub3A_550 = arith.subf %add3A_501, %add3A_541 : vector<16xf32>
      %mul3A_551 = arith.mulf %min3A_549, %sub3A_550 : vector<16xf32>
      %mul3A_552 = arith.mulf %mul3A_551, %sub3A_550 : vector<16xf32>
      %swap3A = arith.index_cast %mul3A_496 : i32 to index
      %swap3A_553 = tpu.vector_load %arg17[%swap3A] {strides = array<i32>} : memref<512xf32, #tpu.memory_space<vmem>>, vector<16xf32>,
      tpu.vector_store %arg17[%swap3A], %mul3A_552 {strides = array<i32>} : memref<512xf32, #tpu.memory_space<vmem>>, vector<16xf32>,
    }
    %scan3A_297 = arith.constant 32 : i32
    "tpu.region"() ({
      %run_scoped3A = tpu.sem_alloc : memref<!tpu.dma_semaphore, #tpu.memory_space<semaphore_mem>>
      %dma_start3A_298 = tpu.memref_slice %arg9[%mul3A_2] : memref<16384xf32, #tpu.memory_space<hbm>> -> memref<512xf32, #tpu.memory_space<hbm>>
      %dma_start3A_299 = tpu.memref_slice %arg9[%mul3A_2] : memref<16384xf32, #tpu.memory_space<hbm>> -> memref<512xf32, #tpu.memory_space<hbm>>
      tpu.enqueue_dma source(%arg17 : memref<512xf32, #tpu.memory_space<vmem>>) target(%dma_start3A_299 : memref<512xf32, #tpu.memory_space<hbm>>) target_semaphore(%run_scoped3A : memref<!tpu.dma_semaphore, #tpu.memory_space<semaphore_mem>>)
      %dma_wait3A_300 = tpu.memref_slice %arg9[%mul3A_2] : memref<16384xf32, #tpu.memory_space<hbm>> -> memref<512xf32, #tpu.memory_space<hbm>>
      %dma_wait3A_301 = tpu.memref_slice %arg9[%mul3A_2] : memref<16384xf32, #tpu.memory_space<hbm>> -> memref<512xf32, #tpu.memory_space<hbm>>
      tpu.wait_dma2 semaphore(%run_scoped3A : memref<!tpu.dma_semaphore, #tpu.memory_space<semaphore_mem>>) src(%arg17 : memref<512xf32, #tpu.memory_space<vmem>>) dst(%dma_wait3A_301 : memref<512xf32, #tpu.memory_space<hbm>>)
      tpu.yield
    }) : () -> ()
    return
  }
}

</mosaic_0001>

<sc_bundles>
// kernel: kernel.3.cloned.1.call-start
scs
__scs_entry_jumppad:
0x0: {  	(pc) =	sbr.rel $0x88, $3  }
0x1: {  	(tag) =	ssettag $0x0;
	lr =	simm.s32 $0x1  }
0x2: {  	[smem:$0x3F9A] =	sst lr;
	_ =	strace $0xD0000000  }
0x3: {  	_ = 	snop  }
0x4: {  	_ = 	snop  }
0x5: {  	_ = 	snop  }
0x6: {  	_ = 	snop  }
0x7: {  	_ = 	snop  }
__scs_overlays_trampoline_lowered:
0x8: {  	[smem:$0x3FA9] =	sst s0  }
0x9: {  	[smem:$0x3FAA] =	sst s1  }
0xa: {  	[smem:$0x3FAB] =	sst s2  }
0xb: {  	[smem:$0x3FAC] =	sst s3  }
0xc: {  	[smem:$0x3FAD] =	sst s4  }
0xd: {  	[smem:$0x3FAE] =	sst s5  }
0xe: {  	[smem:$0x3FAF] =	sst s6  }
0xf: {  	[smem:$0x3FB0] =	sst s7  }
0x10: {  	[smem:$0x3FB1] =	sst s8  }
0x11: {  	[smem:$0x3FB2] =	sst s9;
	s0 =	simm.s32 @!p0 $0x0  }
0x12: {  	s1 =	sld [smem:$0x3F98];
	s0 =	simm.s32 @p0 $0x1  }
0x13: {  	[smem:$0x3FB3] =	sst s0;
	s0 =	simm.s32 @!p1 $0x0  }
0x14: {  	s2 =	sld [smem:$0x3F97];
	s0 =	simm.s32 @p1 $0x1  }
0x15: {  	[smem:$0x3FB4] =	sst s0;
	s0 =	simm.s32 @!p2 $0x0  }
0x16: {  	s3 =	sld [smem:$0x3FDB];
	s0 =	simm.s32 @p2 $0x1  }
0x17: {  	s4 =	simm.s32 $0x1BF5;
	[smem:$0x3FB6] =	sst s0  }
0x18: {  	s0 =	sld [smem:$0x3F99];
	_ =	swait.ge [sflag:s4], $0x0  }
0x19: {  	s7 =	sld [smem:$0x3F9A]  }
0x1a: {  	s8 =	sadd.s32 $0xFFFFE003, lr  }
0x1b: {  	s9 =	sadd.s32 $0xFFFFFEF7, lr;
	s5 =	simm.s32 $0xFFFFFFFF;
	p2 =	slt.u32 s8, $0xFFFFF086  }
0x1c: {  	p1 =	slt.u32 s9, $0xF7A;
	s5 =	simm.s32 @!p2 $0x0  }
0x1d: {  	s5 =	simm.s32 @p1 $0x1;
	p0 =	seq.s32 s7, s2  }
0x1e: {  	s7 =	smul.u32 @!p0 $0xF7A, s2;
	p2 =	seq.s32 @!p0 s5, $0x0  }
0x1f: {  	s9 =	smul.u32 $0xF7A, s1;
	s8 =	simm.s32 @!p0 $0x1BF5;
	p2 =	por !p2, p0  }
0x20: {  	[sflag:s8] =	ssyncset.s32 @!p0 $0xFFFFF086;
	s6 =	sadd.s32 @!p0 s3, s7;
	s7 =	simm.s32 @!p0 $0x108  }
0x21: {  	s3 =	sadd.s32 s3, s9;
	s6 =	sadd.s32 @!p0 $0x88, s6;
	s7 =	simm.s32 @p2 $0x1082  }
0x22: {  	[simem:s7], [sflag:s8] =	dma.local @!p0 [hbm:s6], $0xF7A  }
0x23: {  	s9 =	sor.u32 $0xD0000000, s2;
	s6 =	simm.s32 $0x108;
	_ =	swait.ge @!p0 [sflag:s8], $0x0  }
0x24: {  	s3 =	sadd.s32 $0x88, s3;
	s6 =	simm.s32 @!p1 $0x1082;
	[sflag:s4] =	ssyncset.s32 $0xFFFFF086  }
0x25: {  	[simem:s6], [sflag:s4] =	dma.local [hbm:s3], $0xF7A  }
0x26: {  	[smem:$0x3F9A] =	sst s1;
	(tag) =	ssettag s2;
	_ =	strace s9  }
0x27: {  	s1 =	sld [smem:$0x3FAA]  }
0x28: {  	s2 =	sld [smem:$0x3FAB]  }
0x29: {  	s4 =	sld [smem:$0x3FAD]  }
0x2a: {  	p0 =	seq.s32 s5, $0x0;
	s5 =	sld [smem:$0x3FAE]  }
0x2b: {  	s6 =	sld [smem:$0x3FAF]  }
0x2c: {  	s7 =	sld [smem:$0x3FB0]  }
0x2d: {  	s3 =	simm.s32 $0x108;
	s8 =	sld [smem:$0x3FB1]  }
0x2e: {  	s3 =	simm.s32 @!p0 $0x1082;
	s9 =	sld [smem:$0x3FB2]  }
0x2f: {  	lr =	sadd.s32 s0, s3;
	s0 =	sld [smem:$0x3FA9]  }
0x30: {  	s3 =	sld [smem:$0x3FAC]  }
0x31: {  	[smem:$0x3FB5] =	sst s10  }
0x32: {  	s10 =	sld [smem:$0x3FB3];
	_ =	sdelay $0x3  }
0x33: {  	p0 =	seq.s32 s10, $0x1;
	s10 =	sld [smem:$0x3FB5];
	_ =	sdelay $0x3  }
0x34: {  	[smem:$0x3FB5] =	sst s10  }
0x35: {  	s10 =	sld [smem:$0x3FB4];
	_ =	sdelay $0x3  }
0x36: {  	p1 =	seq.s32 s10, $0x1;
	s10 =	sld [smem:$0x3FB5];
	_ =	sdelay $0x3  }
0x37: {  	[smem:$0x3FB5] =	sst s10  }
0x38: {  	s10 =	sld [smem:$0x3FB6]  }
0x39: {  	_ = 	snop;
	(pc) =	sbr.ind lr, $3  }
0x3a: {  	_ = 	snop  }
0x3b: {  	_ = 	snop  }
0x3c: {  	p2 =	seq.s32 s10, $0x1;
	s10 =	sld [smem:$0x3FB5]  }
0x3d: {  	_ =	shalt  }
0x3e: {  	_ =	shalt  }
0x3f: {  	_ =	shalt  }
0x40: {  	_ =	shalt  }
0x41: {  	_ =	shalt  }
0x42: {  	_ =	shalt  }
0x43: {  	_ =	shalt  }
0x44: {  	_ =	shalt  }
0x45: {  	_ =	shalt  }
0x46: {  	_ =	shalt  }
0x47: {  	_ =	shalt  }
0x48: {  	_ =	shalt  }
0x49: {  	_ =	shalt  }
0x4a: {  	_ =	shalt  }
0x4b: {  	_ =	shalt  }
0x4c: {  	_ =	shalt  }
0x4d: {  	_ =	shalt  }
0x4e: {  	_ =	shalt  }
0x4f: {  	_ =	shalt  }
0x50: {  	_ =	shalt  }
0x51: {  	_ =	shalt  }
0x52: {  	_ =	shalt  }
0x53: {  	_ =	shalt  }
0x54: {  	_ =	shalt  }
0x55: {  	_ =	shalt  }
0x56: {  	_ =	shalt  }
0x57: {  	_ =	shalt  }
0x58: {  	_ =	shalt  }
0x59: {  	_ =	shalt  }
0x5a: {  	_ =	shalt  }
0x5b: {  	_ =	shalt  }
0x5c: {  	_ =	shalt  }
0x5d: {  	_ =	shalt  }
0x5e: {  	_ =	shalt  }
0x5f: {  	_ =	shalt  }
0x60: {  	_ =	shalt  }
0x61: {  	_ =	shalt  }
0x62: {  	_ =	shalt  }
0x63: {  	_ =	shalt  }
0x64: {  	_ =	shalt  }
0x65: {  	_ =	shalt  }
0x66: {  	_ =	shalt  }
0x67: {  	_ =	shalt  }
0x68: {  	_ =	shalt  }
0x69: {  	_ =	shalt  }
0x6a: {  	_ =	shalt  }
0x6b: {  	_ =	shalt  }
0x6c: {  	_ =	shalt  }
0x6d: {  	_ =	shalt  }
0x6e: {  	_ =	shalt  }
0x6f: {  	_ =	shalt  }
0x70: {  	_ =	shalt  }
0x71: {  	_ =	shalt  }
0x72: {  	_ =	shalt  }
0x73: {  	_ =	shalt  }
0x74: {  	_ =	shalt  }
0x75: {  	_ =	shalt  }
0x76: {  	_ =	shalt  }
0x77: {  	_ =	shalt  }
0x78: {  	_ =	shalt  }
0x79: {  	_ =	shalt  }
0x7a: {  	_ =	shalt  }
0x7b: {  	_ =	shalt  }
0x7c: {  	_ =	shalt  }
0x7d: {  	_ =	shalt  }
0x7e: {  	_ =	shalt  }
0x7f: {  	_ =	shalt  }
0x80: {  	_ =	shalt  }
0x81: {  	_ =	shalt  }
0x82: {  	_ =	shalt  }
0x83: {  	_ =	shalt  }
0x84: {  	_ =	shalt  }
0x85: {  	_ =	shalt  }
0x86: {  	_ =	shalt  }
0x87: {  	_ =	shalt  }
.Lfunc_end0:
.L_simem_size_0:
called_computation_lowered:
.L_overlay_start_0:
0x88: {  	s2 =	sld [smem:$0x3FD9]  }
0x89: {  	s3 =	sld [smem:$0x3FFE];
	_ =	sdelay $0x1  }
0x8a: {  	s1 =	srdreg.scid  }
0x8b: {  	s0 =	sand.u32 $0x1, s1  }
0x8c: {  	s17 =	sshll.u32 s0, $0xA;
	s2 =	sadd.s32 s3, s2  }
0x8d: {  	s2 =	sadd.s32 s2, s17  }
0x8e: {  	[smem:$0x3FC1] =	sst s2  }
0x8f: {  	_ = 	snop  }
0x90: {  	s2 =	sld [smem:$0x3FC9]  }
0x91: {  	s18 =	sld [smem:$0x3FC8]  }
0x92: {  	s4 =	sld [smem:$0x3FC7]  }
0x93: {  	s5 =	sld [smem:$0x3FC4]  }
0x94: {  	s6 =	sld [smem:$0x3FC3]  }
0x95: {  	s7 =	sld [smem:$0x3FD0];
	(tm) =	ssettm $0x1  }
0x96: {  	s8 =	sld [smem:$0x3FFB];
	_ =	sdelay $0x3  }
0x97: {  	_ =	strace s8  }
0x98: {  	s8 =	sld [smem:$0x3FFC];
	_ =	sdelay $0x3  }
0x99: {  	_ =	strace s8  }
0x9a: {  	s8 =	sld [smem:$0x3FFD];
	_ =	sdelay $0x3  }
0x9b: {  	_ =	strace s8  }
0x9c: {  	_ =	strace $0x8FFFFFFF  }
0x9d: {  	s19 =	sld [smem:$0x3FDB];
	_ =	sdelay $0x1  }
0x9e: {  	s9 =	simm.s32 $_scs_section_size  }
0x9f: {  	s10 =	simm.s32 $_size__tile_overlayer_lowered;
	s11 =	simm.s32 $_tile_overlayer_lowered  }
0xa0: {  	s22 =	simm.s32 $0x1BFF;
	s21 =	sshll.u32 s11, $0x1;
	s8 =	sadd.s32 s9, s19  }
0xa1: {  	s12 =	simm.s32 $0x0;
	s20 =	sshll.u32 s10, $0x1;
	s10 =	sadd.s32 s21, s8  }
0xa2: {  	[timem:s12], [sflag:s22] =	dma.local [hbm:s10], s20  }
0xa3: {  	_ =	swait.ge [sflag:s22], s20  }
0xa4: {  	s9 =	ssub.s32 $0x0, s20;
	[sflag:s22] =	ssyncset.done $0x0  }
0xa5: {  	[sflag:s22] =	ssyncadd.s32 s9;
	_ =	sdelay $0x1  }
0xa6: {  	s23 =	simm.s32 $0x1B8B  }
0xa7: {  	_ =	swait.ge [sflag:s23], $0x1  }
0xa8: {  	[sflag:s23] =	ssyncset.done $0x0  }
0xa9: {  	s25 =	simm.s32 $0x1B8E;
	s24 =	sld [smem:$0x3FFE];
	[sflag:s23] =	ssyncadd.s32 $0xFFFFFFFF  }
0xaa: {  	s26 =	simm.s32 $execute0_lowered;
	[smem:$0x3FD2] =	sst s25  }
0xab: {  	s10 =	sshll.u32 s26, $0x1;
	_ =	strace $0x80000046;
	[dreg:$0x1] =	wrdreg $0xFFFFFFFF  }
0xac: {  	s28 =	simm.s32 $_size_execute0_lowered;
	s8 =	sadd.s32 s8, s10;
	[dreg:$0x0] =	wrdreg $0x0  }
0xad: {  	s10 =	sshll.u32 s28, $0x1;
	[dreg:$0x2] =	wrdreg s8  }
0xae: {  	[dreg:$0x3] =	wrdreg s10  }
0xaf: {  	[dreg:$0x4] =	wrdreg $0xC0  }
0xb0: {  	_ =	task [dreg:s12], $0x5FFFF  }
0xb1: {  	[dreg:$0x1] =	wrdreg $0xFFFFFFFF  }
0xb2: {  	[dreg:$0x0] =	wrdreg $0x60  }
0xb3: {  	[dreg:$0x2] =	wrdreg s2  }
0xb4: {  	[dreg:$0x3] =	wrdreg s18  }
0xb5: {  	[dreg:$0x4] =	wrdreg s4  }
0xb6: {  	[dreg:$0x5] =	wrdreg s24  }
0xb7: {  	[dreg:$0x6] =	wrdreg s5  }
0xb8: {  	[dreg:$0x7] =	wrdreg s6  }
0xb9: {  	[dreg:$0x8] =	wrdreg s7  }
0xba: {  	[dreg:$0x9] =	wrdreg $0x9  }
0xbb: {  	_ =	task.clear_ibuf [dreg:s12], $0xAFFFF;
	_ =	strace $0x90000046  }
0xbc: {  	s29 =	simm.s32 $0x9;
	_ =	strace $0x80000048  }
0xbd: {  	_ =	swait.ge [sflag:s29], $0x1  }
0xbe: {  	[sflag:s29] =	ssyncadd.s32 $0xFFFFFFFF  }
0xbf: {  	_ =	strace $0x90000048  }
0xc0: {  	_ =	sfence  }
0xc1: {  	s30 =	sld [smem:$0x0];
	_ =	sdelay $0x2  }
0xc2: {  	s31 =	sshll.u32 s1, $0xD;
	s1 =	sshrl.u32 s1, $0x2  }
0xc3: {  	s3 =	sand.u32 $0x4000, s31;
	s1 =	sadd.s32 s1, s30  }
0xc4: {  	s0 =	sor.u32 s3, s0;
	s1 =	sshll.u32 s1, $0x11  }
0xc5: {  	s0 =	sor.u32 s1, s0  }
0xc6: {  	s0 =	sadd.s32 $0x8F2B, s0  }
0xc7: {  	[sflag:s0] =	ssyncadd.remote.s32 $0x1  }
0xc8: {  	_ =	sfence.sel $0xFFFF  }
0xc9: {  	[dreg:$0x0] =	wrdreg $0xFFFFFFFF;
	(pc) =	sbr.abs _section_cstart, $3  }
0xca: {  	[dreg:$0x1] =	wrdreg $0xFFFFFFFF  }
0xcb: {  	_ =	task.clear_ibuf [dreg:s12], $0x2FFFF;
	_ =	strace $0x9FFFFFFF  }
0xcc: {  	(tm) =	ssettm $0x7FFFFFFF  }
0xcd: {  	_ =	shalt  }
tec
execute0_lowered:
.L_overlay_start_1:
0x0: {  	(tag) =	ssettag $0x1  }
0x1: {  	s0 =	rddreg [dreg:$0x0]  }
0x2: {  	s4 =	rddreg [dreg:$0x1]  }
0x3: {  	s9 =	rddreg [dreg:$0x2]  }
0x4: {  	s6 =	rddreg [dreg:$0x3]  }
0x5: {  	s1 =	rddreg [dreg:$0x4]  }
0x6: {  	s2 =	rddreg [dreg:$0x5]  }
0x7: {  	s10 =	rddreg [dreg:$0x6];
	s3 =	simm.s32 $0x0;
	s5 =	srdreg.scid  }
0x8: {  	s12 =	stileid.u32;
	s13 =	simm.s32 $0x200;
	s14 =	simm.s32 $0x80  }
0x9: {  	s15 =	simm.s32 $0x400;
	s16 =	simm.s32 $0x4400;
	s18 =	simm.s32 $0x280  }
0xa: {  	s22 =	simm.s32 $0x100;
	s24 =	simm.s32 $0x300;
	s29 =	simm.s32 $0x180  }
0xb: {  	s31 =	simm.s32 $0x380;
	s17 =	simm.s32 $0x8780;
	s19 =	simm.s32 $0x1  }
0xc: {  	s20 =	simm.s32 $0x8A00;
	s21 =	simm.s32 $0x0;
	[smem:$0x7FF] =	sst s3  }
0xd: {  	s7 =	sand.u32 $0x1, s5;
	s5 =	sadd.s32 $0xF42800, s6;
	s12 =	sshll.u32 s12, $0x7  }
0xe: {  	s6 =	sadd.s32 $0x1313200, s6;
	s8 =	ssub.s32 $0x2, s7;
	s7 =	sshll.u32 s7, $0x6  }
0xf: {  	_ =	strace $0x80000047;
	s11 =	sshrl.u32 s8, $0x1;
	s12 =	sor.u32 s7, s12  }
0x10: {  	s11 =	ssub.s32 s8, s11;
	s7 =	sadd.s32 s0, s12;
	s8 =	sadd.s32 s4, s12  }
0x11: {  	v0 =	vlaneseq.u32;
	s9 =	sadd.s32 s9, s12;
	s10 =	sadd.s32 s10, s12;
	s12 =	simm.s32 $0x2  }
0x12: {  	v0 =	vmul.u32 $0x20, v0;
	s0 =	simm.s32 $0x7400;
	s4 =	simm.s32 $0x8580;
	s11 =	smax.u32 s11, $0x1  }
.LBB2_1:
0x13: {  	[tilespmem:s3], [sflag:$0x2] =	stream.linear.gather [hbm4b:s7+s3], $0x200, $0x38;
	[tilespmem:$0x8C00] =	vst v63  }
0x14: {  	_ =	swait.ge [sflag:s12], $0x200  }
0x15: {  	[sflag:s12] =	ssyncset.done $0x0  }
0x16: {  	[sflag:s12] =	ssyncadd.s32 $0xFFFFFE00  }
0x17: {  	[tilespmem:s13], [sflag:$0x2] =	stream.linear.gather [hbm4b:s8+s3], $0x200, $0x38;
	[tilespmem:$0x8C00] =	vst v63  }
0x18: {  	_ =	swait.ge [sflag:s12], $0x200  }
0x19: {  	[sflag:s12] =	ssyncset.done $0x0  }
0x1a: {  	s26 =	simm.s32 $0x8800;
	[sflag:s12] =	ssyncadd.s32 $0xFFFFFE00  }
0x1b: {  	[tilespmem:s26], [sflag:$0x2] =	stream.linear.gather [hbm4b:s9+s3], $0x200, $0x38;
	[tilespmem:$0x8C00] =	vst v63  }
0x1c: {  	_ =	swait.ge [sflag:s12], $0x200  }
0x1d: {  	[sflag:s12] =	ssyncset.done $0x0  }
0x1e: {  	[sflag:s12] =	ssyncadd.s32 $0xFFFFFE00  }
0x1f: {  	[tilespmem:s15], [sflag:$0x1] =	stream.indirect.gather [hbm4b:s5+s14], $0x20, s3, s14, $0xb8;
	[tilespmem:$0x8C00] =	vst v63  }
0x20: {  	_ = 	snop  }
0x21: {  	[tilespmem:s16], [sflag:$0x1] =	stream.indirect.gather [hbm4b:s6+s14], $0x20, s13, s14, $0xb8;
	[tilespmem:$0x8C00] =	vst v63  }
0x22: {  	s25 =	simm.s32 $0x8400  }
0x23: {  	[tilespmem:s25], [sflag:$0x1] =	stream.indirect.gather [hbm4b:s1+s14], $0x1, s3, s14, $0xb8;
	[tilespmem:$0x8C00] =	vst v63  }
0x24: {  	s23 =	simm.s32 $0x8600  }
0x25: {  	[tilespmem:s23], [sflag:$0x1] =	stream.indirect.gather [hbm4b:s2+s14], $0x1, s13, s14, $0xb8;
	[tilespmem:$0x8C00] =	vst v63  }
0x26: {  	s28 =	simm.s32 $0x1400  }
0x27: {  	[tilespmem:s28], [sflag:$0x1] =	stream.indirect.gather [hbm4b:s5+s14], $0x20, s14, s14, $0xb8;
	[tilespmem:$0x8C00] =	vst v63  }
0x28: {  	s28 =	simm.s32 $0x5400  }
0x29: {  	[tilespmem:s28], [sflag:$0x1] =	stream.indirect.gather [hbm4b:s6+s14], $0x20, s18, s14, $0xb8;
	[tilespmem:$0x8C00] =	vst v63  }
0x2a: {  	s28 =	simm.s32 $0x8480  }
0x2b: {  	[tilespmem:s28], [sflag:$0x1] =	stream.indirect.gather [hbm4b:s1+s14], $0x1, s14, s14, $0xb8;
	[tilespmem:$0x8C00] =	vst v63  }
0x2c: {  	s28 =	simm.s32 $0x8680  }
0x2d: {  	[tilespmem:s28], [sflag:$0x1] =	stream.indirect.gather [hbm4b:s2+s14], $0x1, s18, s14, $0xb8;
	[tilespmem:$0x8C00] =	vst v63  }
0x2e: {  	s28 =	simm.s32 $0x2400  }
0x2f: {  	[tilespmem:s28], [sflag:$0x1] =	stream.indirect.gather [hbm4b:s5+s14], $0x20, s22, s14, $0xb8;
	[tilespmem:$0x8C00] =	vst v63  }
0x30: {  	s28 =	simm.s32 $0x6400  }
0x31: {  	[tilespmem:s28], [sflag:$0x1] =	stream.indirect.gather [hbm4b:s6+s14], $0x20, s24, s14, $0xb8;
	[tilespmem:$0x8C00] =	vst v63  }
0x32: {  	s28 =	simm.s32 $0x8500  }
0x33: {  	[tilespmem:s28], [sflag:$0x1] =	stream.indirect.gather [hbm4b:s1+s14], $0x1, s22, s14, $0xb8;
	[tilespmem:$0x8C00] =	vst v63  }
0x34: {  	s28 =	simm.s32 $0x8700  }
0x35: {  	[tilespmem:s28], [sflag:$0x1] =	stream.indirect.gather [hbm4b:s2+s14], $0x1, s24, s14, $0xb8;
	[tilespmem:$0x8C00] =	vst v63  }
0x36: {  	s28 =	simm.s32 $0x3400  }
0x37: {  	[tilespmem:s28], [sflag:$0x1] =	stream.indirect.gather [hbm4b:s5+s14], $0x20, s29, s14, $0xb8;
	[tilespmem:$0x8C00] =	vst v63  }
0x38: {  	_ = 	snop  }
0x39: {  	[tilespmem:s0], [sflag:$0x1] =	stream.indirect.gather [hbm4b:s6+s14], $0x20, s31, s14, $0xb8;
	[tilespmem:$0x8C00] =	vst v63  }
0x3a: {  	_ = 	snop  }
0x3b: {  	[tilespmem:s4], [sflag:$0x1] =	stream.indirect.gather [hbm4b:s1+s14], $0x1, s29, s14, $0xb8;
	[tilespmem:$0x8C00] =	vst v63  }
0x3c: {  	_ = 	snop  }
0x3d: {  	[tilespmem:s17], [sflag:$0x1] =	stream.indirect.gather [hbm4b:s2+s14], $0x1, s31, s14, $0xb8;
	[tilespmem:$0x8C00] =	vst v63  }
0x3e: {  	_ =	swait.ge [sflag:s19], $0x1000  }
0x3f: {  	[sflag:s19] =	ssyncset.done $0x0  }
0x40: {  	[sflag:s19] =	ssyncadd.s32 $0xFFFFF000  }
0x41: {  	_ =	swait.ge [sflag:s19], $0x1000  }
0x42: {  	[sflag:s19] =	ssyncset.done $0x0  }
0x43: {  	[sflag:s19] =	ssyncadd.s32 $0xFFFFF000  }
0x44: {  	_ =	swait.ge [sflag:s19], $0x80  }
0x45: {  	[sflag:s19] =	ssyncset.done $0x0  }
0x46: {  	[sflag:s19] =	ssyncadd.s32 $0xFFFFFF80  }
0x47: {  	_ =	swait.ge [sflag:s19], $0x80  }
0x48: {  	[sflag:s19] =	ssyncset.done $0x0  }
0x49: {  	[sflag:s19] =	ssyncadd.s32 $0xFFFFFF80  }
0x4a: {  	_ =	swait.ge [sflag:s19], $0x1000  }
0x4b: {  	[sflag:s19] =	ssyncset.done $0x0  }
0x4c: {  	[sflag:s19] =	ssyncadd.s32 $0xFFFFF000  }
0x4d: {  	_ =	swait.ge [sflag:s19], $0x1000  }
0x4e: {  	[sflag:s19] =	ssyncset.done $0x0  }
0x4f: {  	[sflag:s19] =	ssyncadd.s32 $0xFFFFF000  }
0x50: {  	_ =	swait.ge [sflag:s19], $0x80  }
0x51: {  	[sflag:s19] =	ssyncset.done $0x0  }
0x52: {  	[sflag:s19] =	ssyncadd.s32 $0xFFFFFF80  }
0x53: {  	_ =	swait.ge [sflag:s19], $0x80  }
0x54: {  	[sflag:s19] =	ssyncset.done $0x0  }
0x55: {  	[sflag:s19] =	ssyncadd.s32 $0xFFFFFF80  }
0x56: {  	_ =	swait.ge [sflag:s19], $0x1000  }
0x57: {  	[sflag:s19] =	ssyncset.done $0x0  }
0x58: {  	[sflag:s19] =	ssyncadd.s32 $0xFFFFF000  }
0x59: {  	_ =	swait.ge [sflag:s19], $0x1000  }
0x5a: {  	[sflag:s19] =	ssyncset.done $0x0  }
0x5b: {  	[sflag:s19] =	ssyncadd.s32 $0xFFFFF000  }
0x5c: {  	_ =	swait.ge [sflag:s19], $0x80  }
0x5d: {  	[sflag:s19] =	ssyncset.done $0x0  }
0x5e: {  	[sflag:s19] =	ssyncadd.s32 $0xFFFFFF80  }
0x5f: {  	_ =	swait.ge [sflag:s19], $0x80  }
0x60: {  	[sflag:s19] =	ssyncset.done $0x0  }
0x61: {  	[sflag:s19] =	ssyncadd.s32 $0xFFFFFF80  }
0x62: {  	_ =	swait.ge [sflag:s19], $0x1000  }
0x63: {  	[sflag:s19] =	ssyncset.done $0x0  }
0x64: {  	[sflag:s19] =	ssyncadd.s32 $0xFFFFF000  }
0x65: {  	_ =	swait.ge [sflag:s19], $0x1000  }
0x66: {  	v1 =	vmov s3;
	[sflag:s19] =	ssyncset.done $0x0  }
0x67: {  	v1 =	vshll.u32 v1, $0x5;
	[sflag:s19] =	ssyncadd.s32 $0xFFFFF000  }
0x68: {  	v1 =	vor.u32 v0, v1;
	_ =	swait.ge [sflag:s19], $0x80  }
0x69: {  	v2 =	vor.u32 $0xB, v1;
	[sflag:s19] =	ssyncset.done $0x0  }
0x6a: {  	[sflag:s19] =	ssyncadd.s32 $0xFFFFFF80  }
0x6b: {  	_ =	swait.ge [sflag:s19], $0x80  }
0x6c: {  	v3 =	vor.u32 $0x1, v1;
	[sflag:s19] =	ssyncset.done $0x0  }
0x6d: {  	[sflag:s19] =	ssyncadd.s32 $0xFFFFFF80  }
0x6e: {  	v4 =	vor.u32 $0x2, v1;
	v5 =	vld.idx.msk [tilespmem:v2+s15+$0x0], $0xffff  }
0x6f: {  	v6 =	vld.idx.msk [tilespmem:v1+s16+$0x0], $0xffff  }
0x70: {  	v8 =	vor.u32 $0x3, v1;
	v7 =	vld.idx.msk [tilespmem:v1+s15+$0x0], $0xffff  }
0x71: {  	v9 =	vld.idx.msk [tilespmem:v3+s15+$0x0], $0xffff  }
0x72: {  	v10 =	vor.u32 $0x4, v1;
	v3 =	vld.idx.msk [tilespmem:v3+s16+$0x0], $0xffff  }
0x73: {  	v11 =	vld.idx.msk [tilespmem:v4+s15+$0x0], $0xffff  }
0x74: {  	v12 =	vor.u32 $0x5, v1;
	v4 =	vld.idx.msk [tilespmem:v4+s16+$0x0], $0xffff  }
0x75: {  	v13 =	vld.idx.msk [tilespmem:v8+s15+$0x0], $0xffff;
	v6 =	vmul.f32 v6, v7  }
0x76: {  	v63 =	vor.u32 $0x6, v1;
	v7 =	vld.idx.msk [tilespmem:v8+s16+$0x0], $0xffff  }
0x77: {  	v14 =	vld.idx.msk [tilespmem:v10+s15+$0x0], $0xffff;
	v3 =	vmul.f32 v3, v9;
	v6 =	vadd.f32 $0.0e+00, v6  }
0x78: {  	v19 =	vor.u32 $0x7, v1;
	v18 =	vld.idx.msk [tilespmem:v10+s16+$0x0], $0xffff  }
0x79: {  	v15 =	vld.idx.msk [tilespmem:v12+s15+$0x0], $0xffff;
	v4 =	vmul.f32 v4, v11;
	v3 =	vadd.f32 v3, v6  }
0x7a: {  	v20 =	vor.u32 $0x8, v1;
	v6 =	vld.idx.msk [tilespmem:v12+s16+$0x0], $0xffff  }
0x7b: {  	v21 =	vld.idx.msk [tilespmem:v63+s15+$0x0], $0xffff;
	v3 =	vadd.f32 v4, v3;
	v4 =	vmul.f32 v7, v13  }
0x7c: {  	v22 =	vor.u32 $0x9, v1;
	v7 =	vld.idx.msk [tilespmem:v63+s16+$0x0], $0xffff  }
0x7d: {  	v23 =	vld.idx.msk [tilespmem:v19+s15+$0x0], $0xffff;
	v3 =	vadd.f32 v4, v3;
	v4 =	vmul.f32 v18, v14  }
0x7e: {  	v25 =	vor.u32 $0xA, v1;
	v24 =	vld.idx.msk [tilespmem:v19+s16+$0x0], $0xffff  }
0x7f: {  	v26 =	vld.idx.msk [tilespmem:v20+s15+$0x0], $0xffff;
	v3 =	vadd.f32 v4, v3;
	v4 =	vmul.f32 v6, v15  }
0x80: {  	v6 =	vld.idx.msk [tilespmem:v20+s16+$0x0], $0xffff  }
0x81: {  	v27 =	vld.idx.msk [tilespmem:v22+s15+$0x0], $0xffff;
	v3 =	vadd.f32 v4, v3;
	v4 =	vmul.f32 v7, v21  }
0x82: {  	v28 =	vor.u32 $0xC, v1;
	v7 =	vld.idx.msk [tilespmem:v22+s16+$0x0], $0xffff  }
0x83: {  	v29 =	vld.idx.msk [tilespmem:v25+s15+$0x0], $0xffff;
	v3 =	vadd.f32 v4, v3;
	v4 =	vmul.f32 v24, v23  }
0x84: {  	v31 =	vor.u32 $0xD, v1;
	v30 =	vld.idx.msk [tilespmem:v25+s16+$0x0], $0xffff  }
0x85: {  	v3 =	vadd.f32 v4, v3;
	v4 =	vmul.f32 v6, v26;
	v6 =	vld [tilespmem:s26+$0x0]  }
0x86: {  	v32 =	vor.u32 $0xE, v1;
	v2 =	vld.idx.msk [tilespmem:v2+s16+$0x0], $0xffff  }
0x87: {  	v33 =	vld.idx.msk [tilespmem:v28+s15+$0x0], $0xffff;
	v3 =	vadd.f32 v4, v3;
	v4 =	vmul.f32 v7, v27  }
0x88: {  	v34 =	vor.u32 $0xF, v1;
	v7 =	vld.idx.msk [tilespmem:v28+s16+$0x0], $0xffff  }
0x89: {  	v35 =	vld.idx.msk [tilespmem:v31+s15+$0x0], $0xffff;
	v3 =	vadd.f32 v4, v3;
	v4 =	vmul.f32 v30, v29  }
0x8a: {  	v37 =	vor.u32 $0x10, v1;
	v36 =	vld.idx.msk [tilespmem:v31+s16+$0x0], $0xffff;
	v38 =	vand.u32 $0x7FFFFF, v6  }
0x8b: {  	v39 =	vld.idx.msk [tilespmem:v32+s15+$0x0], $0xffff;
	v2 =	vmul.f32 v2, v5;
	v3 =	vadd.f32 v4, v3;
	v4 =	vor.u32 $0x3F800000, v38  }
0x8c: {  	v40 =	vld.idx.msk [tilespmem:v32+s16+$0x0], $0xffff;
	v5 =	vor.u32 $0x11, v1;
	v41 =	vadd.f32 $1.000000000e+00, v4  }
0x8d: {  	v16 =	vld.idx.msk [tilespmem:v34+s15+$0x0], $0xffff;
	v2 =	vadd.f32 v2, v3;
	v3 =	vmul.f32 v7, v33  }
0x8e: {  	v42 =	vor.u32 $0x12, v1;
	v7 =	vld.idx.msk [tilespmem:v34+s16+$0x0], $0xffff;
	(erf) = vrcp.f32 v41  }
0x8f: {  	v43 =	vld.idx.msk [tilespmem:v37+s15+$0x0], $0xffff;
	v2 =	vadd.f32 v3, v2;
	v3 =	vmul.f32 v36, v35  }
0x90: {  	v45 =	vor.u32 $0x13, v1;
	v44 =	vld.idx.msk [tilespmem:v37+s16+$0x0], $0xffff  }
0x91: {  	v46 =	vld.idx.msk [tilespmem:v5+s15+$0x0], $0xffff;
	v2 =	vadd.f32 v3, v2;
	v3 =	vmul.f32 v40, v39  }
0x92: {  	v47 =	vor.u32 $0x14, v1;
	v5 =	vld.idx.msk [tilespmem:v5+s16+$0x0], $0xffff  }
0x93: {  	v48 =	vld.idx.msk [tilespmem:v42+s15+$0x0], $0xffff;
	v2 =	vadd.f32 v3, v2;
	v3 =	vmul.f32 v7, v16  }
0x94: {  	v49 =	vor.u32 $0x15, v1;
	v7 =	vld.idx.msk [tilespmem:v42+s16+$0x0], $0xffff  }
0x95: {  	v50 =	vld.idx.msk [tilespmem:v45+s15+$0x0], $0xffff;
	v2 =	vadd.f32 v3, v2;
	v3 =	vmul.f32 v44, v43  }
0x96: {  	v52 =	vor.u32 $0x16, v1;
	v51 =	vld.idx.msk [tilespmem:v45+s16+$0x0], $0xffff;
	v4 =	vadd.f32 $-1.000000000e+00, v4  }
0x97: {  	v53 =	vld.idx.msk [tilespmem:v47+s15+$0x0], $0xffff;
	v2 =	vadd.f32 v3, v2;
	v3 =	vmul.f32 v5, v46;
	v5 =	vpop (erf)  }
0x98: {  	v55 =	vor.u32 $0x17, v1;
	v54 =	vld.idx.msk [tilespmem:v47+s16+$0x0], $0xffff;
	v4 =	vmul.f32 v5, v4  }
0x99: {  	v5 =	vld.idx.msk [tilespmem:v49+s15+$0x0], $0xffff;
	v2 =	vadd.f32 v3, v2;
	v3 =	vmul.f32 v7, v48  }
0x9a: {  	v56 =	vor.u32 $0x18, v1;
	v7 =	vld.idx.msk [tilespmem:v49+s16+$0x0], $0xffff;
	v57 =	vmul.f32 v4, v4  }
0x9b: {  	v58 =	vld.idx.msk [tilespmem:v52+s15+$0x0], $0xffff;
	v2 =	vadd.f32 v3, v2;
	v3 =	vmul.f32 v51, v50  }
0x9c: {  	v60 =	vor.u32 $0x19, v1;
	v59 =	vld.idx.msk [tilespmem:v52+s16+$0x0], $0xffff;
	v61 =	vmul.f32 $1.428571490e-01, v57  }
0x9d: {  	v17 =	vld.idx.msk [tilespmem:v55+s15+$0x0], $0xffff;
	v2 =	vadd.f32 v3, v2;
	v3 =	vmul.f32 v54, v53  }
0x9e: {  	v62 =	vld.idx.msk [tilespmem:v55+s16+$0x0], $0xffff;
	v63 =	vor.u32 $0x1A, v1;
	v19 =	vadd.f32 $2.000000030e-01, v61  }
0x9f: {  	v20 =	vld.idx.msk [tilespmem:v56+s15+$0x0], $0xffff;
	v2 =	vadd.f32 v3, v2;
	v3 =	vmul.f32 v7, v5  }
0xa0: {  	v5 =	vld.idx.msk [tilespmem:v56+s16+$0x0], $0xffff;
	v7 =	vor.u32 $0x1B, v1;
	v21 =	vmul.f32 v19, v57  }
0xa1: {  	v22 =	vld.idx.msk [tilespmem:v60+s15+$0x0], $0xffff;
	v2 =	vadd.f32 v3, v2;
	v3 =	vmul.f32 v59, v58  }
0xa2: {  	v23 =	vld.idx.msk [tilespmem:v60+s16+$0x0], $0xffff;
	v24 =	vor.u32 $0x1C, v1;
	v8 =	vadd.f32 $3.333333430e-01, v21  }
0xa3: {  	v25 =	vld.idx.msk [tilespmem:v63+s15+$0x0], $0xffff;
	v26 =	vor.u32 $0x1D, v1;
	v2 =	vadd.f32 v3, v2;
	v3 =	vmul.f32 v62, v17  }
0xa4: {  	v12 =	vld.idx.msk [tilespmem:v63+s16+$0x0], $0xffff;
	v27 =	vor.u32 $0x1E, v1;
	v6 =	vshra.s32 v6, $0x17;
	v8 =	vmul.f32 v8, v57  }
0xa5: {  	v28 =	vld.idx.msk [tilespmem:v7+s15+$0x0], $0xffff;
	v2 =	vadd.f32 v3, v2;
	v3 =	vmul.f32 v5, v20;
	v5 =	vadd.s32 $0xFFFFFF81, v6  }
0xa6: {  	v4 =	vadd.f32 v4, v4;
	v6 =	vld.idx.msk [tilespmem:v7+s16+$0x0], $0xffff;
	v7 =	vadd.f32 $1.000000000e+00, v8;
	v5 =	vcvt.s32.f32 v5  }
0xa7: {  	v29 =	vld.idx.msk [tilespmem:v24+s15+$0x0], $0xffff;
	v2 =	vadd.f32 v3, v2;
	v3 =	vmul.f32 v23, v22  }
0xa8: {  	v30 =	vld.idx.msk [tilespmem:v24+s16+$0x0], $0xffff;
	v1 =	vor.u32 $0x1F, v1;
	v4 =	vmul.f32 v7, v4;
	v5 =	vmul.f32 $6.931471820e-01, v5  }
0xa9: {  	v31 =	vld.idx.msk [tilespmem:v26+s16+$0x0], $0xffff;
	v2 =	vadd.f32 v3, v2;
	v3 =	vmul.f32 v12, v25  }
0xaa: {  	v7 =	vld.idx.msk [tilespmem:v26+s15+$0x0], $0xffff;
	v4 =	vadd.f32 v4, v5  }
0xab: {  	v5 =	vld.idx.msk [tilespmem:v27+s15+$0x0], $0xffff;
	v2 =	vadd.f32 v3, v2;
	v3 =	vmul.f32 v6, v28  }
0xac: {  	v6 =	vld.idx.msk [tilespmem:v27+s16+$0x0], $0xffff;
	v32 =	vadd.f32 $-4.605170250e+00, v4  }
0xad: {  	v33 =	vld.idx.msk [tilespmem:v1+s15+$0x0], $0xffff;
	v2 =	vadd.f32 v3, v2;
	v3 =	vmul.f32 v30, v29  }
0xae: {  	v1 =	vld.idx.msk [tilespmem:v1+s16+$0x0], $0xffff;
	v34 =	vmul.f32 $7.500000000e-01, v32  }
0xaf: {  	v2 =	vadd.f32 v3, v2;
	v3 =	vmul.f32 v31, v7  }
0xb0: {  	v7 =	vmul.f32 $1.442695020e+00, v34  }
0xb1: {  	v2 =	vadd.f32 v3, v2;
	v3 =	vmul.f32 v6, v5  }
0xb2: {  	v5 =	vld [tilespmem:s25+$0x0];
	(erf) = vpow2.f32 v7  }
0xb3: {  	v1 =	vmul.f32 v1, v33;
	v2 =	vadd.f32 v3, v2  }
0xb4: {  	v3 =	vld [tilespmem:s23+$0x0]  }
0xb5: {  	v1 =	vadd.f32 v1, v2;
	_ =	sdelay $0x1  }
0xb6: {  	v1 =	vadd.f32 v1, v5;
	_ =	sdelay $0x1  }
0xb7: {  	s26 =	simm.s32 $0x10;
	v1 =	vadd.f32 v1, v3  }
0xb8: {  	v2 =	vmov s26  }
0xb9: {  	v2 =	vshll.u32 v2, $0x5;
	v3 =	vsub.f32 v1, v4;
	v4 =	vpop (erf)  }
0xba: {  	v1 =	vor.u32 v0, v2;
	v2 =	vmin.f32 v4, $1.000000000e+00  }
0xbb: {  	v4 =	vor.u32 $0xB, v1;
	v2 =	vmul.f32 v2, v3;
	_ =	sdelay $0x1  }
0xbc: {  	v2 =	vmul.f32 v2, v3  }
0xbd: {  	v3 =	vor.u32 $0x1, v1  }
0xbe: {  	[tilespmem:s20+$0x0] =	vst v2  }
0xbf: {  	v2 =	vor.u32 $0x2, v1;
	v5 =	vld.idx.msk [tilespmem:v4+s15+$0x0], $0xffff  }
0xc0: {  	v6 =	vld.idx.msk [tilespmem:v1+s16+$0x0], $0xffff  }
0xc1: {  	v35 =	vor.u32 $0x3, v1;
	v7 =	vld.idx.msk [tilespmem:v1+s15+$0x0], $0xffff  }
0xc2: {  	v36 =	vld.idx.msk [tilespmem:v3+s15+$0x0], $0xffff  }
0xc3: {  	v37 =	vor.u32 $0x4, v1;
	v3 =	vld.idx.msk [tilespmem:v3+s16+$0x0], $0xffff  }
0xc4: {  	v38 =	vld.idx.msk [tilespmem:v2+s15+$0x0], $0xffff  }
0xc5: {  	v39 =	vor.u32 $0x5, v1;
	v2 =	vld.idx.msk [tilespmem:v2+s16+$0x0], $0xffff  }
0xc6: {  	v40 =	vld.idx.msk [tilespmem:v35+s15+$0x0], $0xffff;
	v6 =	vmul.f32 v6, v7  }
0xc7: {  	v41 =	vor.u32 $0x6, v1;
	v7 =	vld.idx.msk [tilespmem:v35+s16+$0x0], $0xffff  }
0xc8: {  	v42 =	vld.idx.msk [tilespmem:v37+s15+$0x0], $0xffff;
	v6 =	vadd.f32 $0.0e+00, v6;
	v3 =	vmul.f32 v3, v36  }
0xc9: {  	v44 =	vor.u32 $0x7, v1;
	v43 =	vld.idx.msk [tilespmem:v37+s16+$0x0], $0xffff  }
0xca: {  	v45 =	vld.idx.msk [tilespmem:v39+s15+$0x0], $0xffff;
	v3 =	vadd.f32 v3, v6;
	v2 =	vmul.f32 v2, v38  }
0xcb: {  	v46 =	vor.u32 $0x8, v1;
	v6 =	vld.idx.msk [tilespmem:v39+s16+$0x0], $0xffff  }
0xcc: {  	v47 =	vld.idx.msk [tilespmem:v41+s15+$0x0], $0xffff;
	v2 =	vadd.f32 v2, v3;
	v3 =	vmul.f32 v7, v40  }
0xcd: {  	v48 =	vor.u32 $0x9, v1;
	v7 =	vld.idx.msk [tilespmem:v41+s16+$0x0], $0xffff  }
0xce: {  	v49 =	vld.idx.msk [tilespmem:v44+s15+$0x0], $0xffff;
	v2 =	vadd.f32 v3, v2;
	v3 =	vmul.f32 v43, v42  }
0xcf: {  	v51 =	vor.u32 $0xA, v1;
	v50 =	vld.idx.msk [tilespmem:v44+s16+$0x0], $0xffff  }
0xd0: {  	v52 =	vld.idx.msk [tilespmem:v46+s15+$0x0], $0xffff;
	v2 =	vadd.f32 v3, v2;
	v3 =	vmul.f32 v6, v45  }
0xd1: {  	v6 =	vld.idx.msk [tilespmem:v46+s16+$0x0], $0xffff  }
0xd2: {  	v53 =	vld.idx.msk [tilespmem:v48+s15+$0x0], $0xffff;
	v2 =	vadd.f32 v3, v2;
	v3 =	vmul.f32 v7, v47  }
0xd3: {  	v54 =	vor.u32 $0xC, v1;
	v7 =	vld.idx.msk [tilespmem:v48+s16+$0x0], $0xffff  }
0xd4: {  	v55 =	vld.idx.msk [tilespmem:v51+s15+$0x0], $0xffff;
	v2 =	vadd.f32 v3, v2;
	v3 =	vmul.f32 v50, v49  }
0xd5: {  	s23 =	simm.s32 $0x8810;
	v57 =	vor.u32 $0xD, v1;
	v56 =	vld.idx.msk [tilespmem:v51+s16+$0x0], $0xffff  }
0xd6: {  	v2 =	vadd.f32 v3, v2;
	v3 =	vmul.f32 v6, v52;
	v6 =	vld [tilespmem:s23+$0x0]  }
0xd7: {  	v58 =	vor.u32 $0xE, v1;
	v4 =	vld.idx.msk [tilespmem:v4+s16+$0x0], $0xffff  }
0xd8: {  	v59 =	vld.idx.msk [tilespmem:v54+s15+$0x0], $0xffff;
	v2 =	vadd.f32 v3, v2;
	v3 =	vmul.f32 v7, v53  }
0xd9: {  	v60 =	vor.u32 $0xF, v1;
	v7 =	vld.idx.msk [tilespmem:v54+s16+$0x0], $0xffff  }
0xda: {  	v61 =	vld.idx.msk [tilespmem:v57+s15+$0x0], $0xffff;
	v2 =	vadd.f32 v3, v2;
	v3 =	vmul.f32 v56, v55  }
0xdb: {  	v63 =	vor.u32 $0x10, v1;
	v62 =	vld.idx.msk [tilespmem:v57+s16+$0x0], $0xffff;
	v20 =	vand.u32 $0x7FFFFF, v6  }
0xdc: {  	v21 =	vld.idx.msk [tilespmem:v58+s15+$0x0], $0xffff;
	v2 =	vadd.f32 v3, v2;
	v3 =	vmul.f32 v4, v5;
	v4 =	vor.u32 $0x3F800000, v20  }
0xdd: {  	v22 =	vld.idx.msk [tilespmem:v58+s16+$0x0], $0xffff;
	v5 =	vor.u32 $0x11, v1;
	v23 =	vadd.f32 $1.000000000e+00, v4  }
0xde: {  	v24 =	vld.idx.msk [tilespmem:v60+s15+$0x0], $0xffff;
	v2 =	vadd.f32 v3, v2;
	v3 =	vmul.f32 v7, v59  }
0xdf: {  	v25 =	vor.u32 $0x12, v1;
	v7 =	vld.idx.msk [tilespmem:v60+s16+$0x0], $0xffff;
	(erf) = vrcp.f32 v23  }
0xe0: {  	v26 =	vld.idx.msk [tilespmem:v63+s15+$0x0], $0xffff;
	v2 =	vadd.f32 v3, v2;
	v3 =	vmul.f32 v62, v61  }
0xe1: {  	v28 =	vor.u32 $0x13, v1;
	v27 =	vld.idx.msk [tilespmem:v63+s16+$0x0], $0xffff  }
0xe2: {  	v29 =	vld.idx.msk [tilespmem:v5+s15+$0x0], $0xffff;
	v2 =	vadd.f32 v3, v2;
	v3 =	vmul.f32 v22, v21  }
0xe3: {  	v30 =	vor.u32 $0x14, v1;
	v5 =	vld.idx.msk [tilespmem:v5+s16+$0x0], $0xffff  }
0xe4: {  	v31 =	vld.idx.msk [tilespmem:v25+s15+$0x0], $0xffff;
	v2 =	vadd.f32 v3, v2;
	v3 =	vmul.f32 v7, v24  }
0xe5: {  	v32 =	vor.u32 $0x15, v1;
	v7 =	vld.idx.msk [tilespmem:v25+s16+$0x0], $0xffff  }
0xe6: {  	v33 =	vld.idx.msk [tilespmem:v28+s15+$0x0], $0xffff;
	v2 =	vadd.f32 v3, v2;
	v3 =	vmul.f32 v27, v26  }
0xe7: {  	v34 =	vld.idx.msk [tilespmem:v28+s16+$0x0], $0xffff;
	v35 =	vor.u32 $0x16, v1;
	v4 =	vadd.f32 $-1.000000000e+00, v4  }
0xe8: {  	v37 =	vld.idx.msk [tilespmem:v30+s16+$0x0], $0xffff;
	v2 =	vadd.f32 v3, v2;
	v3 =	vmul.f32 v5, v29;
	v5 =	vpop (erf)  }
0xe9: {  	v36 =	vld.idx.msk [tilespmem:v30+s15+$0x0], $0xffff;
	v38 =	vor.u32 $0x17, v1;
	v4 =	vmul.f32 v5, v4  }
0xea: {  	v5 =	vld.idx.msk [tilespmem:v32+s15+$0x0], $0xffff;
	v2 =	vadd.f32 v3, v2;
	v3 =	vmul.f32 v7, v31  }
0xeb: {  	v39 =	vor.u32 $0x18, v1;
	v7 =	vld.idx.msk [tilespmem:v32+s16+$0x0], $0xffff;
	v40 =	vmul.f32 v4, v4  }
0xec: {  	v41 =	vld.idx.msk [tilespmem:v35+s15+$0x0], $0xffff;
	v2 =	vadd.f32 v3, v2;
	v3 =	vmul.f32 v34, v33  }
0xed: {  	v42 =	vld.idx.msk [tilespmem:v35+s16+$0x0], $0xffff;
	v43 =	vor.u32 $0x19, v1;
	v44 =	vmul.f32 $1.428571490e-01, v40  }
0xee: {  	v45 =	vld.idx.msk [tilespmem:v38+s15+$0x0], $0xffff;
	v2 =	vadd.f32 v3, v2;
	v3 =	vmul.f32 v37, v36  }
0xef: {  	v46 =	vld.idx.msk [tilespmem:v38+s16+$0x0], $0xffff;
	v47 =	vor.u32 $0x1A, v1;
	v48 =	vadd.f32 $2.000000030e-01, v44  }
0xf0: {  	v49 =	vld.idx.msk [tilespmem:v39+s15+$0x0], $0xffff;
	v2 =	vadd.f32 v3, v2;
	v3 =	vmul.f32 v7, v5  }
0xf1: {  	v5 =	vld.idx.msk [tilespmem:v39+s16+$0x0], $0xffff;
	v7 =	vor.u32 $0x1B, v1;
	v50 =	vmul.f32 v48, v40  }
0xf2: {  	v51 =	vld.idx.msk [tilespmem:v43+s15+$0x0], $0xffff;
	v2 =	vadd.f32 v3, v2;
	v3 =	vmul.f32 v42, v41  }
0xf3: {  	v52 =	vld.idx.msk [tilespmem:v43+s16+$0x0], $0xffff;
	v53 =	vor.u32 $0x1C, v1;
	v8 =	vadd.f32 $3.333333430e-01, v50  }
0xf4: {  	v12 =	vld.idx.msk [tilespmem:v47+s16+$0x0], $0xffff;
	v55 =	vor.u32 $0x1D, v1;
	v2 =	vadd.f32 v3, v2;
	v3 =	vmul.f32 v46, v45  }
0xf5: {  	v54 =	vld.idx.msk [tilespmem:v47+s15+$0x0], $0xffff;
	v56 =	vor.u32 $0x1E, v1;
	v6 =	vshra.s32 v6, $0x17;
	v8 =	vmul.f32 v8, v40  }
0xf6: {  	v57 =	vld.idx.msk [tilespmem:v7+s15+$0x0], $0xffff;
	v2 =	vadd.f32 v3, v2;
	v3 =	vmul.f32 v5, v49;
	v5 =	vadd.s32 $0xFFFFFF81, v6  }
0xf7: {  	v4 =	vadd.f32 v4, v4;
	v6 =	vld.idx.msk [tilespmem:v7+s16+$0x0], $0xffff;
	v7 =	vadd.f32 $1.000000000e+00, v8;
	v5 =	vcvt.s32.f32 v5  }
0xf8: {  	v58 =	vld.idx.msk [tilespmem:v53+s15+$0x0], $0xffff;
	v2 =	vadd.f32 v3, v2;
	v3 =	vmul.f32 v52, v51  }
0xf9: {  	v59 =	vld.idx.msk [tilespmem:v53+s16+$0x0], $0xffff;
	v1 =	vor.u32 $0x1F, v1;
	v4 =	vmul.f32 v7, v4;
	v5 =	vmul.f32 $6.931471820e-01, v5  }
0xfa: {  	v60 =	vld.idx.msk [tilespmem:v55+s16+$0x0], $0xffff;
	v2 =	vadd.f32 v3, v2;
	v3 =	vmul.f32 v12, v54  }
0xfb: {  	v7 =	vld.idx.msk [tilespmem:v55+s15+$0x0], $0xffff;
	v4 =	vadd.f32 v4, v5  }
0xfc: {  	v5 =	vld.idx.msk [tilespmem:v56+s15+$0x0], $0xffff;
	v2 =	vadd.f32 v3, v2;
	v3 =	vmul.f32 v6, v57  }
0xfd: {  	v6 =	vld.idx.msk [tilespmem:v56+s16+$0x0], $0xffff;
	v61 =	vadd.f32 $-4.605170250e+00, v4  }
0xfe: {  	v62 =	vld.idx.msk [tilespmem:v1+s15+$0x0], $0xffff;
	v2 =	vadd.f32 v3, v2;
	v3 =	vmul.f32 v59, v58  }
0xff: {  	v1 =	vld.idx.msk [tilespmem:v1+s16+$0x0], $0xffff;
	v63 =	vmul.f32 $7.500000000e-01, v61  }
0x100: {  	v2 =	vadd.f32 v3, v2;
	v3 =	vmul.f32 v60, v7  }
0x101: {  	v7 =	vmul.f32 $1.442695020e+00, v63  }
0x102: {  	s25 =	simm.s32 $0x8410;
	v2 =	vadd.f32 v3, v2;
	v3 =	vmul.f32 v6, v5  }
0x103: {  	v5 =	vld [tilespmem:s25+$0x0];
	(erf) = vpow2.f32 v7  }
0x104: {  	s26 =	simm.s32 $0x8610;
	v1 =	vmul.f32 v1, v62;
	v2 =	vadd.f32 v3, v2  }
0x105: {  	v3 =	vld [tilespmem:s26+$0x0]  }
0x106: {  	v1 =	vadd.f32 v1, v2;
	_ =	sdelay $0x1  }
0x107: {  	v1 =	vadd.f32 v1, v5;
	_ =	sdelay $0x1  }
0x108: {  	s28 =	simm.s32 $0x20;
	v1 =	vadd.f32 v1, v3  }
0x109: {  	v2 =	vmov s28  }
0x10a: {  	v2 =	vshll.u32 v2, $0x5;
	v3 =	vsub.f32 v1, v4;
	v4 =	vpop (erf)  }
0x10b: {  	v1 =	vor.u32 v0, v2;
	v4 =	vmin.f32 v4, $1.000000000e+00  }
0x10c: {  	s30 =	simm.s32 $0x30;
	s28 =	simm.s32 $0x8A00;
	v2 =	vor.u32 $0xB, v1;
	v4 =	vmul.f32 v4, v3  }
.LBB2_2:
0x10d: {  	p0 =	sne.s32 s30, $0x1F0  }
0x10e: {  	v3 =	vmul.f32 v4, v3  }
0x10f: {  	s28 =	sadd.s32 $0x10, s28;
	v4 =	vor.u32 $0x1, v1  }
0x110: {  	[tilespmem:s28+$0x0] =	vst v3  }
0x111: {  	v3 =	vor.u32 $0x2, v1;
	v5 =	vld.idx.msk [tilespmem:v2+s15+$0x0], $0xffff  }
0x112: {  	v6 =	vld.idx.msk [tilespmem:v1+s16+$0x0], $0xffff  }
0x113: {  	v8 =	vor.u32 $0x3, v1;
	v7 =	vld.idx.msk [tilespmem:v1+s15+$0x0], $0xffff  }
0x114: {  	v9 =	vld.idx.msk [tilespmem:v4+s15+$0x0], $0xffff  }
0x115: {  	v10 =	vor.u32 $0x4, v1;
	v4 =	vld.idx.msk [tilespmem:v4+s16+$0x0], $0xffff  }
0x116: {  	v11 =	vld.idx.msk [tilespmem:v3+s15+$0x0], $0xffff  }
0x117: {  	v12 =	vor.u32 $0x5, v1;
	v3 =	vld.idx.msk [tilespmem:v3+s16+$0x0], $0xffff  }
0x118: {  	v13 =	vld.idx.msk [tilespmem:v8+s15+$0x0], $0xffff  }
0x119: {  	v6 =	vmul.f32 v6, v7;
	v7 =	vld.idx.msk [tilespmem:v8+s16+$0x0], $0xffff;
	v8 =	vor.u32 $0x6, v1  }
0x11a: {  	v14 =	vld.idx.msk [tilespmem:v10+s15+$0x0], $0xffff  }
0x11b: {  	v6 =	vadd.f32 $0.0e+00, v6;
	v4 =	vmul.f32 v4, v9;
	v9 =	vld.idx.msk [tilespmem:v10+s16+$0x0], $0xffff;
	v10 =	vor.u32 $0x7, v1  }
0x11c: {  	v15 =	vld.idx.msk [tilespmem:v12+s15+$0x0], $0xffff  }
0x11d: {  	v4 =	vadd.f32 v4, v6;
	v3 =	vmul.f32 v3, v11;
	v11 =	vor.u32 $0x8, v1;
	v6 =	vld.idx.msk [tilespmem:v12+s16+$0x0], $0xffff  }
0x11e: {  	v12 =	vld.idx.msk [tilespmem:v8+s15+$0x0], $0xffff  }
0x11f: {  	v3 =	vadd.f32 v3, v4;
	v4 =	vmul.f32 v7, v13;
	v7 =	vld.idx.msk [tilespmem:v8+s16+$0x0], $0xffff;
	v8 =	vor.u32 $0x9, v1  }
0x120: {  	v13 =	vld.idx.msk [tilespmem:v10+s15+$0x0], $0xffff  }
0x121: {  	v3 =	vadd.f32 v4, v3;
	v4 =	vmul.f32 v9, v14;
	v9 =	vld.idx.msk [tilespmem:v10+s16+$0x0], $0xffff;
	v10 =	vor.u32 $0xA, v1  }
0x122: {  	v14 =	vld.idx.msk [tilespmem:v11+s15+$0x0], $0xffff  }
0x123: {  	v3 =	vadd.f32 v4, v3;
	v4 =	vmul.f32 v6, v15;
	v6 =	vld.idx.msk [tilespmem:v11+s16+$0x0], $0xffff  }
0x124: {  	v11 =	vld.idx.msk [tilespmem:v8+s15+$0x0], $0xffff  }
0x125: {  	v3 =	vadd.f32 v4, v3;
	v4 =	vmul.f32 v7, v12;
	v7 =	vld.idx.msk [tilespmem:v8+s16+$0x0], $0xffff;
	v8 =	vor.u32 $0xC, v1  }
0x126: {  	v12 =	vld.idx.msk [tilespmem:v10+s15+$0x0], $0xffff  }
0x127: {  	v3 =	vadd.f32 v4, v3;
	v4 =	vmul.f32 v9, v13;
	v9 =	vld.idx.msk [tilespmem:v10+s16+$0x0], $0xffff;
	v10 =	vor.u32 $0xD, v1  }
0x128: {  	s23 =	sadd.s32 $0x10, s23;
	v2 =	vld.idx.msk [tilespmem:v2+s16+$0x0], $0xffff  }
0x129: {  	v3 =	vadd.f32 v4, v3;
	v4 =	vmul.f32 v6, v14;
	v6 =	vor.u32 $0xE, v1;
	v13 =	vld [tilespmem:s23+$0x0]  }
0x12a: {  	v14 =	vld.idx.msk [tilespmem:v8+s15+$0x0], $0xffff  }
0x12b: {  	v3 =	vadd.f32 v4, v3;
	v4 =	vmul.f32 v7, v11;
	v7 =	vld.idx.msk [tilespmem:v8+s16+$0x0], $0xffff;
	v8 =	vor.u32 $0xF, v1  }
0x12c: {  	v11 =	vld.idx.msk [tilespmem:v10+s15+$0x0], $0xffff  }
0x12d: {  	v3 =	vadd.f32 v4, v3;
	v4 =	vmul.f32 v9, v12;
	v9 =	vld.idx.msk [tilespmem:v10+s16+$0x0], $0xffff;
	v10 =	vor.u32 $0x10, v1  }
0x12e: {  	v15 =	vor.u32 $0x11, v1;
	v12 =	vld.idx.msk [tilespmem:v6+s15+$0x0], $0xffff;
	v16 =	vand.u32 $0x7FFFFF, v13  }
0x12f: {  	v2 =	vmul.f32 v2, v5;
	v3 =	vadd.f32 v4, v3;
	v4 =	vld.idx.msk [tilespmem:v6+s16+$0x0], $0xffff;
	v5 =	vor.u32 $0x3F800000, v16  }
0x130: {  	v6 =	vld.idx.msk [tilespmem:v8+s15+$0x0], $0xffff;
	v16 =	vadd.f32 $1.000000000e+00, v5  }
0x131: {  	v2 =	vadd.f32 v2, v3;
	v3 =	vmul.f32 v7, v14;
	v7 =	vld.idx.msk [tilespmem:v8+s16+$0x0], $0xffff;
	v8 =	vor.u32 $0x12, v1  }
0x132: {  	v14 =	vld.idx.msk [tilespmem:v10+s15+$0x0], $0xffff;
	(erf) = vrcp.f32 v16  }
0x133: {  	v2 =	vadd.f32 v3, v2;
	v3 =	vmul.f32 v9, v11;
	v9 =	vld.idx.msk [tilespmem:v10+s16+$0x0], $0xffff;
	v10 =	vor.u32 $0x13, v1  }
0x134: {  	v11 =	vld.idx.msk [tilespmem:v15+s15+$0x0], $0xffff  }
0x135: {  	v2 =	vadd.f32 v3, v2;
	v3 =	vmul.f32 v4, v12;
	v12 =	vor.u32 $0x14, v1;
	v4 =	vld.idx.msk [tilespmem:v15+s16+$0x0], $0xffff  }
0x136: {  	v15 =	vld.idx.msk [tilespmem:v8+s15+$0x0], $0xffff  }
0x137: {  	v2 =	vadd.f32 v3, v2;
	v3 =	vmul.f32 v7, v6;
	v7 =	vor.u32 $0x15, v1;
	v6 =	vld.idx.msk [tilespmem:v8+s16+$0x0], $0xffff  }
0x138: {  	v8 =	vld.idx.msk [tilespmem:v10+s15+$0x0], $0xffff  }
0x139: {  	v2 =	vadd.f32 v3, v2;
	v3 =	vmul.f32 v9, v14;
	v9 =	vld.idx.msk [tilespmem:v10+s16+$0x0], $0xffff;
	v10 =	vor.u32 $0x16, v1  }
0x13a: {  	v5 =	vadd.f32 $-1.000000000e+00, v5;
	v14 =	vld.idx.msk [tilespmem:v12+s15+$0x0], $0xffff  }
0x13b: {  	v2 =	vadd.f32 v3, v2;
	v3 =	vmul.f32 v4, v11;
	v11 =	vor.u32 $0x17, v1;
	v4 =	vld.idx.msk [tilespmem:v12+s16+$0x0], $0xffff;
	v12 =	vpop (erf)  }
0x13c: {  	v16 =	vld.idx.msk [tilespmem:v7+s15+$0x0], $0xffff;
	v5 =	vmul.f32 v12, v5  }
0x13d: {  	v2 =	vadd.f32 v3, v2;
	v3 =	vmul.f32 v6, v15;
	v6 =	vld.idx.msk [tilespmem:v7+s16+$0x0], $0xffff;
	v7 =	vor.u32 $0x18, v1  }
0x13e: {  	v12 =	vld.idx.msk [tilespmem:v10+s15+$0x0], $0xffff;
	v15 =	vmul.f32 v5, v5  }
0x13f: {  	v2 =	vadd.f32 v3, v2;
	v3 =	vmul.f32 v9, v8;
	v9 =	vor.u32 $0x19, v1;
	v8 =	vld.idx.msk [tilespmem:v10+s16+$0x0], $0xffff  }
0x140: {  	v10 =	vld.idx.msk [tilespmem:v11+s15+$0x0], $0xffff;
	v17 =	vmul.f32 $1.428571490e-01, v15  }
0x141: {  	v2 =	vadd.f32 v3, v2;
	v3 =	vmul.f32 v4, v14;
	v4 =	vld.idx.msk [tilespmem:v11+s16+$0x0], $0xffff;
	v11 =	vor.u32 $0x1A, v1  }
0x142: {  	v14 =	vld.idx.msk [tilespmem:v7+s15+$0x0], $0xffff;
	v17 =	vadd.f32 $2.000000030e-01, v17  }
0x143: {  	v2 =	vadd.f32 v3, v2;
	v3 =	vmul.f32 v6, v16;
	v6 =	vld.idx.msk [tilespmem:v7+s16+$0x0], $0xffff;
	v7 =	vor.u32 $0x1B, v1  }
0x144: {  	v16 =	vld.idx.msk [tilespmem:v9+s15+$0x0], $0xffff;
	v17 =	vmul.f32 v17, v15  }
0x145: {  	v2 =	vadd.f32 v3, v2;
	v3 =	vmul.f32 v8, v12;
	v8 =	vld.idx.msk [tilespmem:v9+s16+$0x0], $0xffff;
	v9 =	vor.u32 $0x1C, v1  }
0x146: {  	v12 =	vld.idx.msk [tilespmem:v11+s15+$0x0], $0xffff;
	v17 =	vadd.f32 $3.333333430e-01, v17  }
0x147: {  	v2 =	vadd.f32 v3, v2;
	v3 =	vmul.f32 v4, v10;
	v10 =	vor.u32 $0x1D, v1;
	v4 =	vld.idx.msk [tilespmem:v11+s16+$0x0], $0xffff  }
0x148: {  	v18 =	vor.u32 $0x1E, v1;
	v13 =	vshra.s32 v13, $0x17;
	v11 =	vld.idx.msk [tilespmem:v7+s15+$0x0], $0xffff;
	v15 =	vmul.f32 v17, v15  }
0x149: {  	v2 =	vadd.f32 v3, v2;
	v3 =	vmul.f32 v6, v14;
	v6 =	vld.idx.msk [tilespmem:v7+s16+$0x0], $0xffff;
	v7 =	vadd.s32 $0xFFFFFF81, v13  }
0x14a: {  	v5 =	vadd.f32 v5, v5;
	v13 =	vld.idx.msk [tilespmem:v9+s15+$0x0], $0xffff;
	v14 =	vadd.f32 $1.000000000e+00, v15;
	v7 =	vcvt.s32.f32 v7  }
0x14b: {  	v1 =	vor.u32 $0x1F, v1;
	v2 =	vadd.f32 v3, v2;
	v3 =	vmul.f32 v8, v16;
	v8 =	vld.idx.msk [tilespmem:v9+s16+$0x0], $0xffff  }
0x14c: {  	v9 =	vld.idx.msk [tilespmem:v10+s15+$0x0], $0xffff;
	v5 =	vmul.f32 v14, v5;
	v7 =	vmul.f32 $6.931471820e-01, v7  }
0x14d: {  	v2 =	vadd.f32 v3, v2;
	v3 =	vmul.f32 v4, v12;
	v4 =	vld.idx.msk [tilespmem:v10+s16+$0x0], $0xffff  }
0x14e: {  	v10 =	vld.idx.msk [tilespmem:v18+s15+$0x0], $0xffff;
	v5 =	vadd.f32 v5, v7  }
0x14f: {  	v2 =	vadd.f32 v3, v2;
	v3 =	vmul.f32 v6, v11;
	v6 =	vld.idx.msk [tilespmem:v18+s16+$0x0], $0xffff  }
0x150: {  	v7 =	vld.idx.msk [tilespmem:v1+s15+$0x0], $0xffff;
	v11 =	vadd.f32 $-4.605170250e+00, v5  }
0x151: {  	v2 =	vadd.f32 v3, v2;
	v3 =	vmul.f32 v8, v13;
	v1 =	vld.idx.msk [tilespmem:v1+s16+$0x0], $0xffff  }
0x152: {  	v8 =	vmul.f32 $7.500000000e-01, v11  }
0x153: {  	v2 =	vadd.f32 v3, v2;
	v3 =	vmul.f32 v4, v9  }
0x154: {  	v4 =	vmul.f32 $1.442695020e+00, v8  }
0x155: {  	s25 =	sadd.s32 $0x10, s25;
	v2 =	vadd.f32 v3, v2;
	v3 =	vmul.f32 v6, v10  }
0x156: {  	v6 =	vld [tilespmem:s25+$0x0];
	(erf) = vpow2.f32 v4  }
0x157: {  	s26 =	sadd.s32 $0x10, s26;
	v2 =	vadd.f32 v3, v2;
	v1 =	vmul.f32 v1, v7  }
0x158: {  	v3 =	vld [tilespmem:s26+$0x0]  }
0x159: {  	v1 =	vadd.f32 v1, v2;
	_ =	sdelay $0x1  }
0x15a: {  	v1 =	vadd.f32 v1, v6;
	_ =	sdelay $0x1  }
.Ltmp0:
0x15b: {  	v1 =	vadd.f32 v1, v3;
	(pc) =	sbr.rel @p0 .LBB2_2-.Ltmp0, $4  }
0x15c: {  	v2 =	vmov s30  }
0x15d: {  	v2 =	vshll.u32 v2, $0x5;
	v3 =	vsub.f32 v1, v5;
	v4 =	vpop (erf)  }
0x15e: {  	v1 =	vor.u32 v0, v2;
	v4 =	vmin.f32 v4, $1.000000000e+00  }
0x15f: {  	s30 =	sadd.s32 $0x10, s30;
	v2 =	vor.u32 $0xB, v1;
	v4 =	vmul.f32 v4, v3  }
0x160: {  	_ = 	snop  }
0x161: {  	v3 =	vmul.f32 v4, v3  }
0x162: {  	v61 =	vor.u32 $0x1, v1;
	s28 =	sadd.s32 $0x10, s28  }
0x163: {  	[tilespmem:s28+$0x0] =	vst v3  }
0x164: {  	v3 =	vor.u32 $0x2, v1;
	v5 =	vld.idx.msk [tilespmem:v2+s15+$0x0], $0xffff  }
0x165: {  	v6 =	vld.idx.msk [tilespmem:v1+s16+$0x0], $0xffff  }
0x166: {  	v8 =	vor.u32 $0x3, v1;
	v7 =	vld.idx.msk [tilespmem:v1+s15+$0x0], $0xffff  }
0x167: {  	v9 =	vld.idx.msk [tilespmem:v61+s15+$0x0], $0xffff  }
0x168: {  	v10 =	vor.u32 $0x4, v1;
	v4 =	vld.idx.msk [tilespmem:v61+s16+$0x0], $0xffff  }
0x169: {  	v11 =	vld.idx.msk [tilespmem:v3+s15+$0x0], $0xffff  }
0x16a: {  	v12 =	vor.u32 $0x5, v1;
	v3 =	vld.idx.msk [tilespmem:v3+s16+$0x0], $0xffff  }
0x16b: {  	v13 =	vld.idx.msk [tilespmem:v8+s15+$0x0], $0xffff;
	v6 =	vmul.f32 v6, v7  }
0x16c: {  	v63 =	vor.u32 $0x6, v1;
	v62 =	vld.idx.msk [tilespmem:v8+s16+$0x0], $0xffff  }
0x16d: {  	v14 =	vld.idx.msk [tilespmem:v10+s15+$0x0], $0xffff;
	v4 =	vmul.f32 v4, v9;
	v6 =	vadd.f32 $0.0e+00, v6  }
0x16e: {  	v19 =	vor.u32 $0x7, v1;
	v18 =	vld.idx.msk [tilespmem:v10+s16+$0x0], $0xffff  }
0x16f: {  	v15 =	vld.idx.msk [tilespmem:v12+s15+$0x0], $0xffff;
	v4 =	vadd.f32 v4, v6;
	v3 =	vmul.f32 v3, v11  }
0x170: {  	v21 =	vor.u32 $0x8, v1;
	v20 =	vld.idx.msk [tilespmem:v12+s16+$0x0], $0xffff  }
0x171: {  	v22 =	vld.idx.msk [tilespmem:v63+s15+$0x0], $0xffff;
	v23 =	vmul.f32 v62, v13;
	v3 =	vadd.f32 v3, v4  }
0x172: {  	v25 =	vor.u32 $0x9, v1;
	v24 =	vld.idx.msk [tilespmem:v63+s16+$0x0], $0xffff  }
0x173: {  	v26 =	vld.idx.msk [tilespmem:v19+s15+$0x0], $0xffff;
	v27 =	vmul.f32 v18, v14;
	v3 =	vadd.f32 v23, v3  }
0x174: {  	v29 =	vor.u32 $0xA, v1;
	v28 =	vld.idx.msk [tilespmem:v19+s16+$0x0], $0xffff  }
0x175: {  	v30 =	vld.idx.msk [tilespmem:v21+s15+$0x0], $0xffff;
	v31 =	vmul.f32 v20, v15;
	v3 =	vadd.f32 v27, v3  }
0x176: {  	v32 =	vld.idx.msk [tilespmem:v21+s16+$0x0], $0xffff  }
0x177: {  	v33 =	vld.idx.msk [tilespmem:v25+s15+$0x0], $0xffff;
	v34 =	vmul.f32 v24, v22;
	v3 =	vadd.f32 v31, v3  }
0x178: {  	v36 =	vor.u32 $0xC, v1;
	v35 =	vld.idx.msk [tilespmem:v25+s16+$0x0], $0xffff  }
0x179: {  	v37 =	vld.idx.msk [tilespmem:v29+s15+$0x0], $0xffff;
	v38 =	vmul.f32 v28, v26;
	v3 =	vadd.f32 v34, v3  }
0x17a: {  	v40 =	vor.u32 $0xD, v1;
	s23 =	sadd.s32 $0x10, s23;
	v39 =	vld.idx.msk [tilespmem:v29+s16+$0x0], $0xffff  }
0x17b: {  	v41 =	vmul.f32 v32, v30;
	v6 =	vld [tilespmem:s23+$0x0];
	v3 =	vadd.f32 v38, v3  }
0x17c: {  	v42 =	vor.u32 $0xE, v1;
	v2 =	vld.idx.msk [tilespmem:v2+s16+$0x0], $0xffff  }
0x17d: {  	v43 =	vld.idx.msk [tilespmem:v36+s15+$0x0], $0xffff;
	v44 =	vmul.f32 v35, v33;
	v3 =	vadd.f32 v41, v3  }
0x17e: {  	v46 =	vor.u32 $0xF, v1;
	v45 =	vld.idx.msk [tilespmem:v36+s16+$0x0], $0xffff  }
0x17f: {  	v47 =	vld.idx.msk [tilespmem:v40+s15+$0x0], $0xffff;
	v48 =	vmul.f32 v39, v37;
	v3 =	vadd.f32 v44, v3  }
0x180: {  	v50 =	vor.u32 $0x10, v1;
	v49 =	vld.idx.msk [tilespmem:v40+s16+$0x0], $0xffff;
	v51 =	vand.u32 $0x7FFFFF, v6  }
0x181: {  	v52 =	vld.idx.msk [tilespmem:v42+s15+$0x0], $0xffff;
	v2 =	vmul.f32 v2, v5;
	v53 =	vor.u32 $0x3F800000, v51;
	v3 =	vadd.f32 v48, v3  }
0x182: {  	v54 =	vor.u32 $0x11, v1;
	v55 =	vld.idx.msk [tilespmem:v42+s16+$0x0], $0xffff;
	v56 =	vadd.f32 $1.000000000e+00, v53  }
0x183: {  	v16 =	vld.idx.msk [tilespmem:v46+s15+$0x0], $0xffff;
	v2 =	vadd.f32 v2, v3;
	v3 =	vmul.f32 v45, v43  }
0x184: {  	v58 =	vor.u32 $0x12, v1;
	v57 =	vld.idx.msk [tilespmem:v46+s16+$0x0], $0xffff;
	(erf) = vrcp.f32 v56  }
0x185: {  	v59 =	vld.idx.msk [tilespmem:v50+s15+$0x0], $0xffff;
	v2 =	vadd.f32 v3, v2;
	v3 =	vmul.f32 v49, v47  }
0x186: {  	v60 =	vld.idx.msk [tilespmem:v50+s16+$0x0], $0xffff;
	v61 =	vor.u32 $0x13, v1  }
0x187: {  	v5 =	vld.idx.msk [tilespmem:v54+s16+$0x0], $0xffff;
	v2 =	vadd.f32 v3, v2;
	v3 =	vmul.f32 v55, v52  }
0x188: {  	v63 =	vor.u32 $0x14, v1;
	v62 =	vld.idx.msk [tilespmem:v54+s15+$0x0], $0xffff  }
0x189: {  	v19 =	vld.idx.msk [tilespmem:v58+s16+$0x0], $0xffff;
	v2 =	vadd.f32 v3, v2;
	v3 =	vmul.f32 v57, v16  }
0x18a: {  	v18 =	vld.idx.msk [tilespmem:v58+s15+$0x0], $0xffff;
	v20 =	vor.u32 $0x15, v1  }
0x18b: {  	v21 =	vld.idx.msk [tilespmem:v61+s15+$0x0], $0xffff;
	v2 =	vadd.f32 v3, v2;
	v3 =	vmul.f32 v60, v59  }
0x18c: {  	v22 =	vld.idx.msk [tilespmem:v61+s16+$0x0], $0xffff;
	v23 =	vor.u32 $0x16, v1;
	v4 =	vadd.f32 $-1.000000000e+00, v53  }
0x18d: {  	v24 =	vld.idx.msk [tilespmem:v63+s15+$0x0], $0xffff;
	v25 =	vpop (erf);
	v2 =	vadd.f32 v3, v2;
	v3 =	vmul.f32 v5, v62  }
0x18e: {  	v26 =	vld.idx.msk [tilespmem:v63+s16+$0x0], $0xffff;
	v27 =	vor.u32 $0x17, v1;
	v4 =	vmul.f32 v25, v4  }
0x18f: {  	v28 =	vld.idx.msk [tilespmem:v20+s15+$0x0], $0xffff;
	v2 =	vadd.f32 v3, v2;
	v3 =	vmul.f32 v19, v18  }
0x190: {  	v30 =	vor.u32 $0x18, v1;
	v29 =	vld.idx.msk [tilespmem:v20+s16+$0x0], $0xffff;
	v31 =	vmul.f32 v4, v4  }
0x191: {  	v32 =	vld.idx.msk [tilespmem:v23+s15+$0x0], $0xffff;
	v2 =	vadd.f32 v3, v2;
	v3 =	vmul.f32 v22, v21  }
0x192: {  	v33 =	vld.idx.msk [tilespmem:v23+s16+$0x0], $0xffff;
	v34 =	vor.u32 $0x19, v1;
	v35 =	vmul.f32 $1.428571490e-01, v31  }
0x193: {  	v17 =	vld.idx.msk [tilespmem:v27+s15+$0x0], $0xffff;
	v2 =	vadd.f32 v3, v2;
	v3 =	vmul.f32 v26, v24  }
0x194: {  	v37 =	vor.u32 $0x1A, v1;
	v36 =	vld.idx.msk [tilespmem:v27+s16+$0x0], $0xffff;
	v38 =	vadd.f32 $2.000000030e-01, v35  }
0x195: {  	v39 =	vld.idx.msk [tilespmem:v30+s15+$0x0], $0xffff;
	v2 =	vadd.f32 v3, v2;
	v3 =	vmul.f32 v29, v28  }
0x196: {  	v40 =	vld.idx.msk [tilespmem:v30+s16+$0x0], $0xffff;
	v41 =	vor.u32 $0x1B, v1;
	v42 =	vmul.f32 v38, v31  }
0x197: {  	v44 =	vld.idx.msk [tilespmem:v34+s16+$0x0], $0xffff;
	v2 =	vadd.f32 v3, v2;
	v3 =	vmul.f32 v33, v32  }
0x198: {  	v43 =	vld.idx.msk [tilespmem:v34+s15+$0x0], $0xffff;
	v45 =	vor.u32 $0x1C, v1;
	v8 =	vadd.f32 $3.333333430e-01, v42  }
0x199: {  	v46 =	vld.idx.msk [tilespmem:v37+s15+$0x0], $0xffff;
	v6 =	vshra.s32 v6, $0x17;
	v2 =	vadd.f32 v3, v2;
	v3 =	vmul.f32 v36, v17  }
0x19a: {  	v12 =	vld.idx.msk [tilespmem:v37+s16+$0x0], $0xffff;
	v50 =	vadd.s32 $0xFFFFFF81, v6;
	v47 =	vor.u32 $0x1D, v1;
	v8 =	vmul.f32 v8, v31  }
0x19b: {  	v48 =	vor.u32 $0x1E, v1;
	v51 =	vld.idx.msk [tilespmem:v41+s16+$0x0], $0xffff;
	v2 =	vadd.f32 v3, v2;
	v3 =	vmul.f32 v40, v39  }
0x19c: {  	v4 =	vadd.f32 v4, v4;
	v49 =	vld.idx.msk [tilespmem:v41+s15+$0x0], $0xffff;
	v5 =	vcvt.s32.f32 v50;
	v52 =	vadd.f32 $1.000000000e+00, v8  }
0x19d: {  	v53 =	vld.idx.msk [tilespmem:v45+s15+$0x0], $0xffff;
	v2 =	vadd.f32 v3, v2;
	v3 =	vmul.f32 v44, v43  }
0x19e: {  	v1 =	vor.u32 $0x1F, v1;
	v54 =	vld.idx.msk [tilespmem:v45+s16+$0x0], $0xffff;
	v5 =	vmul.f32 $6.931471820e-01, v5;
	v4 =	vmul.f32 v52, v4  }
0x19f: {  	v55 =	vld.idx.msk [tilespmem:v47+s15+$0x0], $0xffff;
	v2 =	vadd.f32 v3, v2;
	v3 =	vmul.f32 v12, v46  }
0x1a0: {  	v56 =	vld.idx.msk [tilespmem:v47+s16+$0x0], $0xffff;
	v4 =	vadd.f32 v4, v5  }
0x1a1: {  	v58 =	vld.idx.msk [tilespmem:v48+s16+$0x0], $0xffff;
	v2 =	vadd.f32 v3, v2;
	v3 =	vmul.f32 v51, v49  }
0x1a2: {  	v57 =	vld.idx.msk [tilespmem:v48+s15+$0x0], $0xffff;
	v59 =	vadd.f32 $-4.605170250e+00, v4  }
0x1a3: {  	v60 =	vld.idx.msk [tilespmem:v1+s15+$0x0], $0xffff;
	v2 =	vadd.f32 v3, v2;
	v3 =	vmul.f32 v54, v53  }
0x1a4: {  	v1 =	vld.idx.msk [tilespmem:v1+s16+$0x0], $0xffff;
	v61 =	vmul.f32 $7.500000000e-01, v59  }
0x1a5: {  	v2 =	vadd.f32 v3, v2;
	v3 =	vmul.f32 v56, v55  }
0x1a6: {  	v62 =	vmul.f32 $1.442695020e+00, v61  }
0x1a7: {  	s25 =	sadd.s32 $0x10, s25;
	v2 =	vadd.f32 v3, v2;
	v3 =	vmul.f32 v58, v57  }
0x1a8: {  	v63 =	vld [tilespmem:s25+$0x0];
	(erf) = vpow2.f32 v62  }
0x1a9: {  	s26 =	sadd.s32 $0x10, s26;
	v1 =	vmul.f32 v1, v60;
	v2 =	vadd.f32 v3, v2  }
0x1aa: {  	v3 =	vld [tilespmem:s26+$0x0]  }
0x1ab: {  	v1 =	vadd.f32 v1, v2;
	_ =	sdelay $0x1  }
0x1ac: {  	v1 =	vadd.f32 v1, v63;
	_ =	sdelay $0x1  }
0x1ad: {  	v1 =	vadd.f32 v1, v3;
	_ =	sdelay $0x1  }
0x1ae: {  	v2 =	vpop (erf);
	v1 =	vsub.f32 v1, v4  }
0x1af: {  	v2 =	vmin.f32 v2, $1.000000000e+00  }
0x1b0: {  	v2 =	vmul.f32 v2, v1;
	_ =	sdelay $0x1  }
0x1b1: {  	s21 =	sadd.s32 $0x1, s21;
	v1 =	vmul.f32 v2, v1  }
0x1b2: {  	s30 =	sadd.s32 $0x10, s28;
	p0 =	sne.s32 s21, s11  }
.Ltmp1:
0x1b3: {  	[tilespmem:s30+$0x0] =	vst v1;
	(pc) =	sbr.rel @p0 .LBB2_1-.Ltmp1, $4  }
0x1b4: {  	[hbm4b:s10+s3] =	stream.linear.scatter [tilespmem:s20], [sflag:$0x2], $0x200, $0x38;
	[tilespmem:$0x8C00] =	vst v63  }
0x1b5: {  	_ =	swait.ge [sflag:s12], $0x200  }
0x1b6: {  	[sflag:s12] =	ssyncset.done $0x0  }
0x1b7: {  	[sflag:s12] =	ssyncadd.s32 $0xFFFFFE00  }
0x1b8: {  	_ =	sfence.sel $0x180000  }
0x1b9: {  	[bflag:$0x0] =	sbarrier.arrive $0xFFFF  }
0x1ba: {  	_ =	strace $0x90000047  }
0x1bb: {  	s0 =	stileid.u32;
	[bflag:$0x2] =	sbarrier.arrive $0xFFFF  }
0x1bc: {  	p0 =	sne.s32 s0, $0x0;
	s0 =	rddreg [dreg:$0x7]  }
0x1bd: {  	s0 =	sadd.s32 @!p0 $0x100000, s0  }
0x1be: {  	[sflag:s0] =	ssyncadd.tile.s32 @!p0 $0x1;
	_ =	shalt  }
.Lfunc_end2:
_tile_overlayer_lowered:
.L_overlay_start_2:
0x1bf: {  	(tag) =	ssettag $0x2  }
0x1c0: {  	s0 =	rddreg [dreg:$0x0];
	s2 =	stileid.u32  }
0x1c1: {  	s1 =	rddreg [dreg:$0x1];
	p0 =	sne.s32 s2, $0x0  }
0x1c2: {  	s3 =	rddreg [dreg:$0x2];
	[bflag:$0x3] =	sbarrier.arrive $0xFFFF;
	s2 =	simm.s32 @!p0 $0x1C02  }
0x1c3: {  	[timem:s3], [sflag:s2] =	dma.local @!p0 [hbm:s0], s1  }
0x1c4: {  	s0 =	simm.s32 @!p0 $0x2  }
0x1c5: {  	_ =	swait.ge @!p0 [sflag:s0], s1  }
0x1c6: {  	s1 =	ssub.s32 @!p0 $0x0, s1;
	[sflag:s0] =	ssyncset.done @!p0 $0x0  }
0x1c7: {  	[sflag:s0] =	ssyncadd.s32 @!p0 s1  }
0x1c8: {  	[bflag:$0x3] =	sbarrier.arrive $0xFFFF  }
0x1c9: {  	_ =	shalt  }

</sc_bundles>
